<compile_context>
chip_gen: v7x
topology: tpu7x:2x2x1
jax: 0.10.2.dev20260603
libtpu: 0.0.44.dev20260713+nightly
codegen_flags: <defaults>
</compile_context>

<pallas_src>
import jax
import jax.numpy as jnp
from jax import lax
from jax.experimental import pallas as pl
from jax.experimental.pallas import tpu as pltpu
from jax.experimental.pallas import tpu_sc as plsc

INPUT_BITS = 16384
OUTPUT_BITS = 65536
N_BITS = 8
N_CELLS = 2 ** N_BITS

_NW = 32
_P = OUTPUT_BITS // _NW
_L = 16
_CHUNK = 128


def _tile_body(x_hbm, map_hbm, mem_hbm, out_hbm, x_v, m_v, idx_v, o_v, sem):
    nc = 2
    wid = lax.axis_index("s") * nc + lax.axis_index("c")
    base = wid * _P

    pltpu.sync_copy(x_hbm, x_v)
    pltpu.sync_copy(map_hbm.at[pl.ds(base * N_BITS, _P * N_BITS)], m_v)

    lane = lax.iota(jnp.int32, 16)
    lane8 = lane * N_BITS
    row0 = (base + lane) * N_CELLS

    def body(g, _):
        off = g * _L
        mbase = off * N_BITS + lane8
        acc = jnp.zeros((16,), jnp.int32)
        for j in range(N_BITS):
            bit_idx = plsc.load_gather(m_v, [mbase + j])
            bits = plsc.load_gather(x_v, [bit_idx])
            acc = acc + (bits << j)
        idx_v[pl.ds(off, _L)] = row0 + off * N_CELLS + acc
        return 0

    lax.fori_loop(0, _P // _L, body, 0, unroll=4)

    copies = []
    for c in range(_P // _CHUNK):
        copies.append(
            pltpu.async_copy(
                mem_hbm.at[idx_v.at[pl.ds(c * _CHUNK, _CHUNK)]],
                o_v.at[pl.ds(c * _CHUNK, _CHUNK)],
                sem,
            )
        )
    for cp in copies:
        cp.wait()

    pltpu.sync_copy(o_v, out_hbm.at[pl.ds(base, _P)])


@jax.jit
def _run(x, map_flat, mem_flat):
    mesh = plsc.VectorSubcoreMesh(core_axis_name="c", subcore_axis_name="s")
    fn = pl.kernel(
        _tile_body,
        out_type=jax.ShapeDtypeStruct((OUTPUT_BITS,), jnp.float32),
        mesh=mesh,
        scratch_types=[
            pltpu.VMEM((INPUT_BITS,), jnp.int32),
            pltpu.VMEM((_P * N_BITS,), jnp.int32),
            pltpu.VMEM((_P,), jnp.int32),
            pltpu.VMEM((_P,), jnp.float32),
            pltpu.SemaphoreType.DMA,
        ],
        compiler_params=pltpu.CompilerParams(needs_layout_passes=False),
    )
    return fn(x, map_flat, mem_flat)


def kernel(x, mapping, memory):
    map_flat = mapping.reshape(OUTPUT_BITS * N_BITS)
    mem_flat = memory.reshape(OUTPUT_BITS * N_CELLS)
    return _run(x, map_flat, mem_flat)

# --- scband reference (transcript-rebuilt; emitter-appended) ---
"""Pipeline reference for scband-single-ram-30202210025967 (READ-ONLY COPY).

The authoritative reference and input builder live on the scoring server;
editing this copy changes nothing except your own understanding.
"""

import jax, jax.numpy as jnp
import numpy as np

INPUT_BITS = 16384
OUTPUT_BITS = 65536
N_BITS = 8  # min(input_bits, 8)


def setup_inputs(seed: int = 0) -> dict:
    key = jax.random.key(seed)
    k1, k2, k3 = jax.random.split(key, 3)
    # binary input vector (single sample; forward does squeeze().unsqueeze(0))
    x = jax.random.randint(k1, (INPUT_BITS,), 0, 2, dtype=jnp.int32)
    # random connectivity: each of the OUTPUT_BITS RAM neurons reads N_BITS input bits
    mapping = jax.random.randint(k2, (OUTPUT_BITS, N_BITS), 0, INPUT_BITS, dtype=jnp.int32)
    # learned RAM contents: one 2^N_BITS-cell table per neuron
    memory = jax.random.uniform(k3, (OUTPUT_BITS, 2 ** N_BITS), dtype=jnp.float32)
    return {"x": x, "mapping": mapping, "memory": memory}


def reference(x, mapping, memory):
    # x: [INPUT_BITS] binary; mapping: [OUTPUT_BITS, N_BITS]; memory: [OUTPUT_BITS, 2^N_BITS]
    xb = jnp.reshape(x, (-1,))  # squeeze
    # gather the bits each neuron looks at
    bits = jnp.take(xb, mapping)  # [OUTPUT_BITS, N_BITS]
    # pack bits into a RAM address per neuron
    powers = (2 ** jnp.arange(N_BITS)).astype(jnp.int32)  # [N_BITS]
    addr = jnp.sum(bits * powers[None, :], axis=-1)  # [OUTPUT_BITS]
    # per-neuron RAM lookup (gather along the cell axis)
    out = jnp.take_along_axis(memory, addr[:, None], axis=1)[:, 0]  # [OUTPUT_BITS]
    return out  # squeeze() of the [1, OUTPUT_BITS] batch

if __name__ == "__main__":
    import jax
    _d = setup_inputs()
    print(jax.jit(kernel)(*tuple(_d.values())))

</pallas_src>

<mosaic_0001>
#map = affine_map<(d0, d1) -> (0)>
module attributes {stable_mosaic.version = 14 : i64} {
  func.func @_tile_body(%arg0: i32, %arg1: i32, %arg2: memref<16384xi32, #tpu.memory_space<hbm>>, %arg3: memref<524288xi32, #tpu.memory_space<hbm>>, %arg4: memref<16777216xf32, #tpu.memory_space<hbm>>, %arg5: memref<65536xf32, #tpu.memory_space<hbm>>, %arg6: memref<16384xi32, #tpu.memory_space<vmem>>, %arg7: memref<16384xi32, #tpu.memory_space<vmem>>, %arg8: memref<2048xi32, #tpu.memory_space<vmem>>, %arg9: memref<2048xf32, #tpu.memory_space<vmem>>, %arg10: memref<!tpu.dma_semaphore, #tpu.memory_space<semaphore_mem>>) attributes {dimension_semantics = [#tpu.dimension_semantics<core_parallel>, #tpu.dimension_semantics<subcore_parallel>], iteration_bounds = array<i64: 2, 16>, scalar_prefetch = 0 : i64, scratch_operands = 5 : i64, tpu.core_type = #tpu.core_type<sc_vector_subcore>, window_params = [{transform_indices = #map}, {transform_indices = #map}, {transform_indices = #map}, {transform_indices = #map}]} {
    %mul3A = arith.constant 2 : i32
    %mul3A_0 = arith.muli %arg1, %mul3A : i32
    %add3A = arith.addi %mul3A_0, %arg0 : i32
    %mul3A_1 = arith.constant 2048 : i32
    %mul3A_2 = arith.muli %add3A, %mul3A_1 : i32
    "tpu.region"() ({
      %run_scoped3A = tpu.sem_alloc : memref<!tpu.dma_semaphore, #tpu.memory_space<semaphore_mem>>
      tpu.enqueue_dma source(%arg2 : memref<16384xi32, #tpu.memory_space<hbm>>) target(%arg6 : memref<16384xi32, #tpu.memory_space<vmem>>) target_semaphore(%run_scoped3A : memref<!tpu.dma_semaphore, #tpu.memory_space<semaphore_mem>>)
      tpu.wait_dma2 semaphore(%run_scoped3A : memref<!tpu.dma_semaphore, #tpu.memory_space<semaphore_mem>>) src(%arg2 : memref<16384xi32, #tpu.memory_space<hbm>>) dst(%arg6 : memref<16384xi32, #tpu.memory_space<vmem>>)
      tpu.yield
    }) : () -> ()
    %mul3A_3 = arith.constant 8 : i32
    %mul3A_4 = arith.muli %mul3A_2, %mul3A_3 : i32
    "tpu.region"() ({
      %run_scoped3A = tpu.sem_alloc : memref<!tpu.dma_semaphore, #tpu.memory_space<semaphore_mem>>
      %dma_start3A_209 = tpu.memref_slice %arg3[%mul3A_4] : memref<524288xi32, #tpu.memory_space<hbm>> -> memref<16384xi32, #tpu.memory_space<hbm>>
      %dma_start3A_210 = tpu.memref_slice %arg3[%mul3A_4] : memref<524288xi32, #tpu.memory_space<hbm>> -> memref<16384xi32, #tpu.memory_space<hbm>>
      tpu.enqueue_dma source(%dma_start3A_210 : memref<16384xi32, #tpu.memory_space<hbm>>) target(%arg7 : memref<16384xi32, #tpu.memory_space<vmem>>) target_semaphore(%run_scoped3A : memref<!tpu.dma_semaphore, #tpu.memory_space<semaphore_mem>>)
      %dma_wait3A_211 = tpu.memref_slice %arg3[%mul3A_4] : memref<524288xi32, #tpu.memory_space<hbm>> -> memref<16384xi32, #tpu.memory_space<hbm>>
      %dma_wait3A_212 = tpu.memref_slice %arg3[%mul3A_4] : memref<524288xi32, #tpu.memory_space<hbm>> -> memref<16384xi32, #tpu.memory_space<hbm>>
      tpu.wait_dma2 semaphore(%run_scoped3A : memref<!tpu.dma_semaphore, #tpu.memory_space<semaphore_mem>>) src(%dma_wait3A_212 : memref<16384xi32, #tpu.memory_space<hbm>>) dst(%arg7 : memref<16384xi32, #tpu.memory_space<vmem>>)
      tpu.yield
    }) : () -> ()
    %iota3A = tpu.iota {dimensions = array<i32: 0>} : vector<16xi32>
    %mul3A_5 = arith.constant 8 : i32
    %mul3A_6 = vector.broadcast %mul3A_5 : i32 to vector<16xi32>
    %mul3A_7 = arith.muli %iota3A, %mul3A_6 : vector<16xi32>
    %add3A_8 = vector.broadcast %mul3A_2 : i32 to vector<16xi32>
    %add3A_9 = arith.addi %add3A_8, %iota3A : vector<16xi32>
    %mul3A_10 = arith.constant 256 : i32
    %mul3A_11 = vector.broadcast %mul3A_10 : i32 to vector<16xi32>
    %mul3A_12 = arith.muli %add3A_9, %mul3A_11 : vector<16xi32>
    %scan3A = arith.constant 0 : i32
    %scan3A_13 = arith.constant 0 : i32
    %scan3A_14 = arith.constant 128 : i32
    %scan3A_15 = arith.addi %scan3A_13, %scan3A_14 : i32
    %scan3A_16 = arith.constant 4 : i32
    %scan3A_17 = scf.for %scan3A_209 = %scan3A_13 to %scan3A_15 step %scan3A_16 iter_args(%scan3A_210 = %scan3A) -> (i32)  : i32 {
      %mul3A_211 = arith.constant 16 : i32
      %mul3A_212 = arith.muli %scan3A_209, %mul3A_211 : i32
      %mul3A_213 = arith.constant 8 : i32
      %mul3A_214 = arith.muli %mul3A_212, %mul3A_213 : i32
      %add3A_215 = vector.broadcast %mul3A_214 : i32 to vector<16xi32>
      %add3A_216 = arith.addi %add3A_215, %mul3A_7 : vector<16xi32>
      %broadcast_in_dim3A = arith.constant 0 : i32
      %broadcast_in_dim3A_217 = vector.broadcast %broadcast_in_dim3A : i32 to vector<16xi32>
      %add3A_218 = arith.constant 0 : i32
      %add3A_219 = vector.broadcast %add3A_218 : i32 to vector<16xi32>
      %add3A_220 = arith.addi %add3A_216, %add3A_219 : vector<16xi32>
      %gather3A = tpu.vector_load_idx %arg7[%add3A_220] : memref<16384xi32, #tpu.memory_space<vmem>>[vector<16xi32>], vector<16xi32>,
      %gather3A_221 = tpu.vector_load_idx %arg6[%gather3A] : memref<16384xi32, #tpu.memory_space<vmem>>[vector<16xi32>], vector<16xi32>,
      %shift_left3A = arith.constant 0 : i32
      %shift_left3A_222 = vector.broadcast %shift_left3A : i32 to vector<16xi32>
      %shift_left3A_223 = arith.shli %gather3A_221, %shift_left3A_222 : vector<16xi32>
      %add3A_224 = arith.addi %broadcast_in_dim3A_217, %shift_left3A_223 : vector<16xi32>
      %add3A_225 = arith.constant 1 : i32
      %add3A_226 = vector.broadcast %add3A_225 : i32 to vector<16xi32>
      %add3A_227 = arith.addi %add3A_216, %add3A_226 : vector<16xi32>
      %gather3A_228 = tpu.vector_load_idx %arg7[%add3A_227] : memref<16384xi32, #tpu.memory_space<vmem>>[vector<16xi32>], vector<16xi32>,
      %gather3A_229 = tpu.vector_load_idx %arg6[%gather3A_228] : memref<16384xi32, #tpu.memory_space<vmem>>[vector<16xi32>], vector<16xi32>,
      %shift_left3A_230 = arith.constant 1 : i32
      %shift_left3A_231 = vector.broadcast %shift_left3A_230 : i32 to vector<16xi32>
      %shift_left3A_232 = arith.shli %gather3A_229, %shift_left3A_231 : vector<16xi32>
      %add3A_233 = arith.addi %add3A_224, %shift_left3A_232 : vector<16xi32>
      %add3A_234 = arith.constant 2 : i32
      %add3A_235 = vector.broadcast %add3A_234 : i32 to vector<16xi32>
      %add3A_236 = arith.addi %add3A_216, %add3A_235 : vector<16xi32>
      %gather3A_237 = tpu.vector_load_idx %arg7[%add3A_236] : memref<16384xi32, #tpu.memory_space<vmem>>[vector<16xi32>], vector<16xi32>,
      %gather3A_238 = tpu.vector_load_idx %arg6[%gather3A_237] : memref<16384xi32, #tpu.memory_space<vmem>>[vector<16xi32>], vector<16xi32>,
      %shift_left3A_239 = arith.constant 2 : i32
      %shift_left3A_240 = vector.broadcast %shift_left3A_239 : i32 to vector<16xi32>
      %shift_left3A_241 = arith.shli %gather3A_238, %shift_left3A_240 : vector<16xi32>
      %add3A_242 = arith.addi %add3A_233, %shift_left3A_241 : vector<16xi32>
      %add3A_243 = arith.constant 3 : i32
      %add3A_244 = vector.broadcast %add3A_243 : i32 to vector<16xi32>
      %add3A_245 = arith.addi %add3A_216, %add3A_244 : vector<16xi32>
      %gather3A_246 = tpu.vector_load_idx %arg7[%add3A_245] : memref<16384xi32, #tpu.memory_space<vmem>>[vector<16xi32>], vector<16xi32>,
      %gather3A_247 = tpu.vector_load_idx %arg6[%gather3A_246] : memref<16384xi32, #tpu.memory_space<vmem>>[vector<16xi32>], vector<16xi32>,
      %shift_left3A_248 = arith.constant 3 : i32
      %shift_left3A_249 = vector.broadcast %shift_left3A_248 : i32 to vector<16xi32>
      %shift_left3A_250 = arith.shli %gather3A_247, %shift_left3A_249 : vector<16xi32>
      %add3A_251 = arith.addi %add3A_242, %shift_left3A_250 : vector<16xi32>
      %add3A_252 = arith.constant 4 : i32
      %add3A_253 = vector.broadcast %add3A_252 : i32 to vector<16xi32>
      %add3A_254 = arith.addi %add3A_216, %add3A_253 : vector<16xi32>
      %gather3A_255 = tpu.vector_load_idx %arg7[%add3A_254] : memref<16384xi32, #tpu.memory_space<vmem>>[vector<16xi32>], vector<16xi32>,
      %gather3A_256 = tpu.vector_load_idx %arg6[%gather3A_255] : memref<16384xi32, #tpu.memory_space<vmem>>[vector<16xi32>], vector<16xi32>,
      %shift_left3A_257 = arith.constant 4 : i32
      %shift_left3A_258 = vector.broadcast %shift_left3A_257 : i32 to vector<16xi32>
      %shift_left3A_259 = arith.shli %gather3A_256, %shift_left3A_258 : vector<16xi32>
      %add3A_260 = arith.addi %add3A_251, %shift_left3A_259 : vector<16xi32>
      %add3A_261 = arith.constant 5 : i32
      %add3A_262 = vector.broadcast %add3A_261 : i32 to vector<16xi32>
      %add3A_263 = arith.addi %add3A_216, %add3A_262 : vector<16xi32>
      %gather3A_264 = tpu.vector_load_idx %arg7[%add3A_263] : memref<16384xi32, #tpu.memory_space<vmem>>[vector<16xi32>], vector<16xi32>,
      %gather3A_265 = tpu.vector_load_idx %arg6[%gather3A_264] : memref<16384xi32, #tpu.memory_space<vmem>>[vector<16xi32>], vector<16xi32>,
      %shift_left3A_266 = arith.constant 5 : i32
      %shift_left3A_267 = vector.broadcast %shift_left3A_266 : i32 to vector<16xi32>
      %shift_left3A_268 = arith.shli %gather3A_265, %shift_left3A_267 : vector<16xi32>
      %add3A_269 = arith.addi %add3A_260, %shift_left3A_268 : vector<16xi32>
      %add3A_270 = arith.constant 6 : i32
      %add3A_271 = vector.broadcast %add3A_270 : i32 to vector<16xi32>
      %add3A_272 = arith.addi %add3A_216, %add3A_271 : vector<16xi32>
      %gather3A_273 = tpu.vector_load_idx %arg7[%add3A_272] : memref<16384xi32, #tpu.memory_space<vmem>>[vector<16xi32>], vector<16xi32>,
      %gather3A_274 = tpu.vector_load_idx %arg6[%gather3A_273] : memref<16384xi32, #tpu.memory_space<vmem>>[vector<16xi32>], vector<16xi32>,
      %shift_left3A_275 = arith.constant 6 : i32
      %shift_left3A_276 = vector.broadcast %shift_left3A_275 : i32 to vector<16xi32>
      %shift_left3A_277 = arith.shli %gather3A_274, %shift_left3A_276 : vector<16xi32>
      %add3A_278 = arith.addi %add3A_269, %shift_left3A_277 : vector<16xi32>
      %add3A_279 = arith.constant 7 : i32
      %add3A_280 = vector.broadcast %add3A_279 : i32 to vector<16xi32>
      %add3A_281 = arith.addi %add3A_216, %add3A_280 : vector<16xi32>
      %gather3A_282 = tpu.vector_load_idx %arg7[%add3A_281] : memref<16384xi32, #tpu.memory_space<vmem>>[vector<16xi32>], vector<16xi32>,
      %gather3A_283 = tpu.vector_load_idx %arg6[%gather3A_282] : memref<16384xi32, #tpu.memory_space<vmem>>[vector<16xi32>], vector<16xi32>,
      %shift_left3A_284 = arith.constant 7 : i32
      %shift_left3A_285 = vector.broadcast %shift_left3A_284 : i32 to vector<16xi32>
      %shift_left3A_286 = arith.shli %gather3A_283, %shift_left3A_285 : vector<16xi32>
      %add3A_287 = arith.addi %add3A_278, %shift_left3A_286 : vector<16xi32>
      %mul3A_288 = arith.constant 256 : i32
      %mul3A_289 = arith.muli %mul3A_212, %mul3A_288 : i32
      %add3A_290 = vector.broadcast %mul3A_289 : i32 to vector<16xi32>
      %add3A_291 = arith.addi %mul3A_12, %add3A_290 : vector<16xi32>
      %add3A_292 = arith.addi %add3A_291, %add3A_287 : vector<16xi32>
      %swap3A = arith.index_cast %mul3A_212 : i32 to index
      %swap3A_293 = tpu.vector_load %arg8[%swap3A] {strides = array<i32>} : memref<2048xi32, #tpu.memory_space<vmem>>, vector<16xi32>,
      tpu.vector_store %arg8[%swap3A], %add3A_292 {strides = array<i32>} : memref<2048xi32, #tpu.memory_space<vmem>>, vector<16xi32>,
      %scan3A_294 = arith.constant 0 : i32
      %scan3A_295 = arith.constant 1 : i32
      %scan3A_296 = arith.addi %scan3A_209, %scan3A_295 : i32
      %mul3A_297 = arith.constant 16 : i32
      %mul3A_298 = arith.muli %scan3A_296, %mul3A_297 : i32
      %mul3A_299 = arith.constant 8 : i32
      %mul3A_300 = arith.muli %mul3A_298, %mul3A_299 : i32
      %add3A_301 = vector.broadcast %mul3A_300 : i32 to vector<16xi32>
      %add3A_302 = arith.addi %add3A_301, %mul3A_7 : vector<16xi32>
      %broadcast_in_dim3A_303 = arith.constant 0 : i32
      %broadcast_in_dim3A_304 = vector.broadcast %broadcast_in_dim3A_303 : i32 to vector<16xi32>
      %add3A_305 = arith.constant 0 : i32
      %add3A_306 = vector.broadcast %add3A_305 : i32 to vector<16xi32>
      %add3A_307 = arith.addi %add3A_302, %add3A_306 : vector<16xi32>
      %gather3A_308 = tpu.vector_load_idx %arg7[%add3A_307] : memref<16384xi32, #tpu.memory_space<vmem>>[vector<16xi32>], vector<16xi32>,
      %gather3A_309 = tpu.vector_load_idx %arg6[%gather3A_308] : memref<16384xi32, #tpu.memory_space<vmem>>[vector<16xi32>], vector<16xi32>,
      %shift_left3A_310 = arith.constant 0 : i32
      %shift_left3A_311 = vector.broadcast %shift_left3A_310 : i32 to vector<16xi32>
      %shift_left3A_312 = arith.shli %gather3A_309, %shift_left3A_311 : vector<16xi32>
      %add3A_313 = arith.addi %broadcast_in_dim3A_304, %shift_left3A_312 : vector<16xi32>
      %add3A_314 = arith.constant 1 : i32
      %add3A_315 = vector.broadcast %add3A_314 : i32 to vector<16xi32>
      %add3A_316 = arith.addi %add3A_302, %add3A_315 : vector<16xi32>
      %gather3A_317 = tpu.vector_load_idx %arg7[%add3A_316] : memref<16384xi32, #tpu.memory_space<vmem>>[vector<16xi32>], vector<16xi32>,
      %gather3A_318 = tpu.vector_load_idx %arg6[%gather3A_317] : memref<16384xi32, #tpu.memory_space<vmem>>[vector<16xi32>], vector<16xi32>,
      %shift_left3A_319 = arith.constant 1 : i32
      %shift_left3A_320 = vector.broadcast %shift_left3A_319 : i32 to vector<16xi32>
      %shift_left3A_321 = arith.shli %gather3A_318, %shift_left3A_320 : vector<16xi32>
      %add3A_322 = arith.addi %add3A_313, %shift_left3A_321 : vector<16xi32>
      %add3A_323 = arith.constant 2 : i32
      %add3A_324 = vector.broadcast %add3A_323 : i32 to vector<16xi32>
      %add3A_325 = arith.addi %add3A_302, %add3A_324 : vector<16xi32>
      %gather3A_326 = tpu.vector_load_idx %arg7[%add3A_325] : memref<16384xi32, #tpu.memory_space<vmem>>[vector<16xi32>], vector<16xi32>,
      %gather3A_327 = tpu.vector_load_idx %arg6[%gather3A_326] : memref<16384xi32, #tpu.memory_space<vmem>>[vector<16xi32>], vector<16xi32>,
      %shift_left3A_328 = arith.constant 2 : i32
      %shift_left3A_329 = vector.broadcast %shift_left3A_328 : i32 to vector<16xi32>
      %shift_left3A_330 = arith.shli %gather3A_327, %shift_left3A_329 : vector<16xi32>
      %add3A_331 = arith.addi %add3A_322, %shift_left3A_330 : vector<16xi32>
      %add3A_332 = arith.constant 3 : i32
      %add3A_333 = vector.broadcast %add3A_332 : i32 to vector<16xi32>
      %add3A_334 = arith.addi %add3A_302, %add3A_333 : vector<16xi32>
      %gather3A_335 = tpu.vector_load_idx %arg7[%add3A_334] : memref<16384xi32, #tpu.memory_space<vmem>>[vector<16xi32>], vector<16xi32>,
      %gather3A_336 = tpu.vector_load_idx %arg6[%gather3A_335] : memref<16384xi32, #tpu.memory_space<vmem>>[vector<16xi32>], vector<16xi32>,
      %shift_left3A_337 = arith.constant 3 : i32
      %shift_left3A_338 = vector.broadcast %shift_left3A_337 : i32 to vector<16xi32>
      %shift_left3A_339 = arith.shli %gather3A_336, %shift_left3A_338 : vector<16xi32>
      %add3A_340 = arith.addi %add3A_331, %shift_left3A_339 : vector<16xi32>
      %add3A_341 = arith.constant 4 : i32
      %add3A_342 = vector.broadcast %add3A_341 : i32 to vector<16xi32>
      %add3A_343 = arith.addi %add3A_302, %add3A_342 : vector<16xi32>
      %gather3A_344 = tpu.vector_load_idx %arg7[%add3A_343] : memref<16384xi32, #tpu.memory_space<vmem>>[vector<16xi32>], vector<16xi32>,
      %gather3A_345 = tpu.vector_load_idx %arg6[%gather3A_344] : memref<16384xi32, #tpu.memory_space<vmem>>[vector<16xi32>], vector<16xi32>,
      %shift_left3A_346 = arith.constant 4 : i32
      %shift_left3A_347 = vector.broadcast %shift_left3A_346 : i32 to vector<16xi32>
      %shift_left3A_348 = arith.shli %gather3A_345, %shift_left3A_347 : vector<16xi32>
      %add3A_349 = arith.addi %add3A_340, %shift_left3A_348 : vector<16xi32>
      %add3A_350 = arith.constant 5 : i32
      %add3A_351 = vector.broadcast %add3A_350 : i32 to vector<16xi32>
      %add3A_352 = arith.addi %add3A_302, %add3A_351 : vector<16xi32>
      %gather3A_353 = tpu.vector_load_idx %arg7[%add3A_352] : memref<16384xi32, #tpu.memory_space<vmem>>[vector<16xi32>], vector<16xi32>,
      %gather3A_354 = tpu.vector_load_idx %arg6[%gather3A_353] : memref<16384xi32, #tpu.memory_space<vmem>>[vector<16xi32>], vector<16xi32>,
      %shift_left3A_355 = arith.constant 5 : i32
      %shift_left3A_356 = vector.broadcast %shift_left3A_355 : i32 to vector<16xi32>
      %shift_left3A_357 = arith.shli %gather3A_354, %shift_left3A_356 : vector<16xi32>
      %add3A_358 = arith.addi %add3A_349, %shift_left3A_357 : vector<16xi32>
      %add3A_359 = arith.constant 6 : i32
      %add3A_360 = vector.broadcast %add3A_359 : i32 to vector<16xi32>
      %add3A_361 = arith.addi %add3A_302, %add3A_360 : vector<16xi32>
      %gather3A_362 = tpu.vector_load_idx %arg7[%add3A_361] : memref<16384xi32, #tpu.memory_space<vmem>>[vector<16xi32>], vector<16xi32>,
      %gather3A_363 = tpu.vector_load_idx %arg6[%gather3A_362] : memref<16384xi32, #tpu.memory_space<vmem>>[vector<16xi32>], vector<16xi32>,
      %shift_left3A_364 = arith.constant 6 : i32
      %shift_left3A_365 = vector.broadcast %shift_left3A_364 : i32 to vector<16xi32>
      %shift_left3A_366 = arith.shli %gather3A_363, %shift_left3A_365 : vector<16xi32>
      %add3A_367 = arith.addi %add3A_358, %shift_left3A_366 : vector<16xi32>
      %add3A_368 = arith.constant 7 : i32
      %add3A_369 = vector.broadcast %add3A_368 : i32 to vector<16xi32>
      %add3A_370 = arith.addi %add3A_302, %add3A_369 : vector<16xi32>
      %gather3A_371 = tpu.vector_load_idx %arg7[%add3A_370] : memref<16384xi32, #tpu.memory_space<vmem>>[vector<16xi32>], vector<16xi32>,
      %gather3A_372 = tpu.vector_load_idx %arg6[%gather3A_371] : memref<16384xi32, #tpu.memory_space<vmem>>[vector<16xi32>], vector<16xi32>,
      %shift_left3A_373 = arith.constant 7 : i32
      %shift_left3A_374 = vector.broadcast %shift_left3A_373 : i32 to vector<16xi32>
      %shift_left3A_375 = arith.shli %gather3A_372, %shift_left3A_374 : vector<16xi32>
      %add3A_376 = arith.addi %add3A_367, %shift_left3A_375 : vector<16xi32>
      %mul3A_377 = arith.constant 256 : i32
      %mul3A_378 = arith.muli %mul3A_298, %mul3A_377 : i32
      %add3A_379 = vector.broadcast %mul3A_378 : i32 to vector<16xi32>
      %add3A_380 = arith.addi %mul3A_12, %add3A_379 : vector<16xi32>
      %add3A_381 = arith.addi %add3A_380, %add3A_376 : vector<16xi32>
      %swap3A_382 = arith.index_cast %mul3A_298 : i32 to index
      %swap3A_383 = tpu.vector_load %arg8[%swap3A_382] {strides = array<i32>} : memref<2048xi32, #tpu.memory_space<vmem>>, vector<16xi32>,
      tpu.vector_store %arg8[%swap3A_382], %add3A_381 {strides = array<i32>} : memref<2048xi32, #tpu.memory_space<vmem>>, vector<16xi32>,
      %scan3A_384 = arith.constant 0 : i32
      %scan3A_385 = arith.constant 2 : i32
      %scan3A_386 = arith.addi %scan3A_209, %scan3A_385 : i32
      %mul3A_387 = arith.constant 16 : i32
      %mul3A_388 = arith.muli %scan3A_386, %mul3A_387 : i32
      %mul3A_389 = arith.constant 8 : i32
      %mul3A_390 = arith.muli %mul3A_388, %mul3A_389 : i32
      %add3A_391 = vector.broadcast %mul3A_390 : i32 to vector<16xi32>
      %add3A_392 = arith.addi %add3A_391, %mul3A_7 : vector<16xi32>
      %broadcast_in_dim3A_393 = arith.constant 0 : i32
      %broadcast_in_dim3A_394 = vector.broadcast %broadcast_in_dim3A_393 : i32 to vector<16xi32>
      %add3A_395 = arith.constant 0 : i32
      %add3A_396 = vector.broadcast %add3A_395 : i32 to vector<16xi32>
      %add3A_397 = arith.addi %add3A_392, %add3A_396 : vector<16xi32>
      %gather3A_398 = tpu.vector_load_idx %arg7[%add3A_397] : memref<16384xi32, #tpu.memory_space<vmem>>[vector<16xi32>], vector<16xi32>,
      %gather3A_399 = tpu.vector_load_idx %arg6[%gather3A_398] : memref<16384xi32, #tpu.memory_space<vmem>>[vector<16xi32>], vector<16xi32>,
      %shift_left3A_400 = arith.constant 0 : i32
      %shift_left3A_401 = vector.broadcast %shift_left3A_400 : i32 to vector<16xi32>
      %shift_left3A_402 = arith.shli %gather3A_399, %shift_left3A_401 : vector<16xi32>
      %add3A_403 = arith.addi %broadcast_in_dim3A_394, %shift_left3A_402 : vector<16xi32>
      %add3A_404 = arith.constant 1 : i32
      %add3A_405 = vector.broadcast %add3A_404 : i32 to vector<16xi32>
      %add3A_406 = arith.addi %add3A_392, %add3A_405 : vector<16xi32>
      %gather3A_407 = tpu.vector_load_idx %arg7[%add3A_406] : memref<16384xi32, #tpu.memory_space<vmem>>[vector<16xi32>], vector<16xi32>,
      %gather3A_408 = tpu.vector_load_idx %arg6[%gather3A_407] : memref<16384xi32, #tpu.memory_space<vmem>>[vector<16xi32>], vector<16xi32>,
      %shift_left3A_409 = arith.constant 1 : i32
      %shift_left3A_410 = vector.broadcast %shift_left3A_409 : i32 to vector<16xi32>
      %shift_left3A_411 = arith.shli %gather3A_408, %shift_left3A_410 : vector<16xi32>
      %add3A_412 = arith.addi %add3A_403, %shift_left3A_411 : vector<16xi32>
      %add3A_413 = arith.constant 2 : i32
      %add3A_414 = vector.broadcast %add3A_413 : i32 to vector<16xi32>
      %add3A_415 = arith.addi %add3A_392, %add3A_414 : vector<16xi32>
      %gather3A_416 = tpu.vector_load_idx %arg7[%add3A_415] : memref<16384xi32, #tpu.memory_space<vmem>>[vector<16xi32>], vector<16xi32>,
      %gather3A_417 = tpu.vector_load_idx %arg6[%gather3A_416] : memref<16384xi32, #tpu.memory_space<vmem>>[vector<16xi32>], vector<16xi32>,
      %shift_left3A_418 = arith.constant 2 : i32
      %shift_left3A_419 = vector.broadcast %shift_left3A_418 : i32 to vector<16xi32>
      %shift_left3A_420 = arith.shli %gather3A_417, %shift_left3A_419 : vector<16xi32>
      %add3A_421 = arith.addi %add3A_412, %shift_left3A_420 : vector<16xi32>
      %add3A_422 = arith.constant 3 : i32
      %add3A_423 = vector.broadcast %add3A_422 : i32 to vector<16xi32>
      %add3A_424 = arith.addi %add3A_392, %add3A_423 : vector<16xi32>
      %gather3A_425 = tpu.vector_load_idx %arg7[%add3A_424] : memref<16384xi32, #tpu.memory_space<vmem>>[vector<16xi32>], vector<16xi32>,
      %gather3A_426 = tpu.vector_load_idx %arg6[%gather3A_425] : memref<16384xi32, #tpu.memory_space<vmem>>[vector<16xi32>], vector<16xi32>,
      %shift_left3A_427 = arith.constant 3 : i32
      %shift_left3A_428 = vector.broadcast %shift_left3A_427 : i32 to vector<16xi32>
      %shift_left3A_429 = arith.shli %gather3A_426, %shift_left3A_428 : vector<16xi32>
      %add3A_430 = arith.addi %add3A_421, %shift_left3A_429 : vector<16xi32>
      %add3A_431 = arith.constant 4 : i32
      %add3A_432 = vector.broadcast %add3A_431 : i32 to vector<16xi32>
      %add3A_433 = arith.addi %add3A_392, %add3A_432 : vector<16xi32>
      %gather3A_434 = tpu.vector_load_idx %arg7[%add3A_433] : memref<16384xi32, #tpu.memory_space<vmem>>[vector<16xi32>], vector<16xi32>,
      %gather3A_435 = tpu.vector_load_idx %arg6[%gather3A_434] : memref<16384xi32, #tpu.memory_space<vmem>>[vector<16xi32>], vector<16xi32>,
      %shift_left3A_436 = arith.constant 4 : i32
      %shift_left3A_437 = vector.broadcast %shift_left3A_436 : i32 to vector<16xi32>
      %shift_left3A_438 = arith.shli %gather3A_435, %shift_left3A_437 : vector<16xi32>
      %add3A_439 = arith.addi %add3A_430, %shift_left3A_438 : vector<16xi32>
      %add3A_440 = arith.constant 5 : i32
      %add3A_441 = vector.broadcast %add3A_440 : i32 to vector<16xi32>
      %add3A_442 = arith.addi %add3A_392, %add3A_441 : vector<16xi32>
      %gather3A_443 = tpu.vector_load_idx %arg7[%add3A_442] : memref<16384xi32, #tpu.memory_space<vmem>>[vector<16xi32>], vector<16xi32>,
      %gather3A_444 = tpu.vector_load_idx %arg6[%gather3A_443] : memref<16384xi32, #tpu.memory_space<vmem>>[vector<16xi32>], vector<16xi32>,
      %shift_left3A_445 = arith.constant 5 : i32
      %shift_left3A_446 = vector.broadcast %shift_left3A_445 : i32 to vector<16xi32>
      %shift_left3A_447 = arith.shli %gather3A_444, %shift_left3A_446 : vector<16xi32>
      %add3A_448 = arith.addi %add3A_439, %shift_left3A_447 : vector<16xi32>
      %add3A_449 = arith.constant 6 : i32
      %add3A_450 = vector.broadcast %add3A_449 : i32 to vector<16xi32>
      %add3A_451 = arith.addi %add3A_392, %add3A_450 : vector<16xi32>
      %gather3A_452 = tpu.vector_load_idx %arg7[%add3A_451] : memref<16384xi32, #tpu.memory_space<vmem>>[vector<16xi32>], vector<16xi32>,
      %gather3A_453 = tpu.vector_load_idx %arg6[%gather3A_452] : memref<16384xi32, #tpu.memory_space<vmem>>[vector<16xi32>], vector<16xi32>,
      %shift_left3A_454 = arith.constant 6 : i32
      %shift_left3A_455 = vector.broadcast %shift_left3A_454 : i32 to vector<16xi32>
      %shift_left3A_456 = arith.shli %gather3A_453, %shift_left3A_455 : vector<16xi32>
      %add3A_457 = arith.addi %add3A_448, %shift_left3A_456 : vector<16xi32>
      %add3A_458 = arith.constant 7 : i32
      %add3A_459 = vector.broadcast %add3A_458 : i32 to vector<16xi32>
      %add3A_460 = arith.addi %add3A_392, %add3A_459 : vector<16xi32>
      %gather3A_461 = tpu.vector_load_idx %arg7[%add3A_460] : memref<16384xi32, #tpu.memory_space<vmem>>[vector<16xi32>], vector<16xi32>,
      %gather3A_462 = tpu.vector_load_idx %arg6[%gather3A_461] : memref<16384xi32, #tpu.memory_space<vmem>>[vector<16xi32>], vector<16xi32>,
      %shift_left3A_463 = arith.constant 7 : i32
      %shift_left3A_464 = vector.broadcast %shift_left3A_463 : i32 to vector<16xi32>
      %shift_left3A_465 = arith.shli %gather3A_462, %shift_left3A_464 : vector<16xi32>
      %add3A_466 = arith.addi %add3A_457, %shift_left3A_465 : vector<16xi32>
      %mul3A_467 = arith.constant 256 : i32
      %mul3A_468 = arith.muli %mul3A_388, %mul3A_467 : i32
      %add3A_469 = vector.broadcast %mul3A_468 : i32 to vector<16xi32>
      %add3A_470 = arith.addi %mul3A_12, %add3A_469 : vector<16xi32>
      %add3A_471 = arith.addi %add3A_470, %add3A_466 : vector<16xi32>
      %swap3A_472 = arith.index_cast %mul3A_388 : i32 to index
      %swap3A_473 = tpu.vector_load %arg8[%swap3A_472] {strides = array<i32>} : memref<2048xi32, #tpu.memory_space<vmem>>, vector<16xi32>,
      tpu.vector_store %arg8[%swap3A_472], %add3A_471 {strides = array<i32>} : memref<2048xi32, #tpu.memory_space<vmem>>, vector<16xi32>,
      %scan3A_474 = arith.constant 0 : i32
      %scan3A_475 = arith.constant 3 : i32
      %scan3A_476 = arith.addi %scan3A_209, %scan3A_475 : i32
      %mul3A_477 = arith.constant 16 : i32
      %mul3A_478 = arith.muli %scan3A_476, %mul3A_477 : i32
      %mul3A_479 = arith.constant 8 : i32
      %mul3A_480 = arith.muli %mul3A_478, %mul3A_479 : i32
      %add3A_481 = vector.broadcast %mul3A_480 : i32 to vector<16xi32>
      %add3A_482 = arith.addi %add3A_481, %mul3A_7 : vector<16xi32>
      %broadcast_in_dim3A_483 = arith.constant 0 : i32
      %broadcast_in_dim3A_484 = vector.broadcast %broadcast_in_dim3A_483 : i32 to vector<16xi32>
      %add3A_485 = arith.constant 0 : i32
      %add3A_486 = vector.broadcast %add3A_485 : i32 to vector<16xi32>
      %add3A_487 = arith.addi %add3A_482, %add3A_486 : vector<16xi32>
      %gather3A_488 = tpu.vector_load_idx %arg7[%add3A_487] : memref<16384xi32, #tpu.memory_space<vmem>>[vector<16xi32>], vector<16xi32>,
      %gather3A_489 = tpu.vector_load_idx %arg6[%gather3A_488] : memref<16384xi32, #tpu.memory_space<vmem>>[vector<16xi32>], vector<16xi32>,
      %shift_left3A_490 = arith.constant 0 : i32
      %shift_left3A_491 = vector.broadcast %shift_left3A_490 : i32 to vector<16xi32>
      %shift_left3A_492 = arith.shli %gather3A_489, %shift_left3A_491 : vector<16xi32>
      %add3A_493 = arith.addi %broadcast_in_dim3A_484, %shift_left3A_492 : vector<16xi32>
      %add3A_494 = arith.constant 1 : i32
      %add3A_495 = vector.broadcast %add3A_494 : i32 to vector<16xi32>
      %add3A_496 = arith.addi %add3A_482, %add3A_495 : vector<16xi32>
      %gather3A_497 = tpu.vector_load_idx %arg7[%add3A_496] : memref<16384xi32, #tpu.memory_space<vmem>>[vector<16xi32>], vector<16xi32>,
      %gather3A_498 = tpu.vector_load_idx %arg6[%gather3A_497] : memref<16384xi32, #tpu.memory_space<vmem>>[vector<16xi32>], vector<16xi32>,
      %shift_left3A_499 = arith.constant 1 : i32
      %shift_left3A_500 = vector.broadcast %shift_left3A_499 : i32 to vector<16xi32>
      %shift_left3A_501 = arith.shli %gather3A_498, %shift_left3A_500 : vector<16xi32>
      %add3A_502 = arith.addi %add3A_493, %shift_left3A_501 : vector<16xi32>
      %add3A_503 = arith.constant 2 : i32
      %add3A_504 = vector.broadcast %add3A_503 : i32 to vector<16xi32>
      %add3A_505 = arith.addi %add3A_482, %add3A_504 : vector<16xi32>
      %gather3A_506 = tpu.vector_load_idx %arg7[%add3A_505] : memref<16384xi32, #tpu.memory_space<vmem>>[vector<16xi32>], vector<16xi32>,
      %gather3A_507 = tpu.vector_load_idx %arg6[%gather3A_506] : memref<16384xi32, #tpu.memory_space<vmem>>[vector<16xi32>], vector<16xi32>,
      %shift_left3A_508 = arith.constant 2 : i32
      %shift_left3A_509 = vector.broadcast %shift_left3A_508 : i32 to vector<16xi32>
      %shift_left3A_510 = arith.shli %gather3A_507, %shift_left3A_509 : vector<16xi32>
      %add3A_511 = arith.addi %add3A_502, %shift_left3A_510 : vector<16xi32>
      %add3A_512 = arith.constant 3 : i32
      %add3A_513 = vector.broadcast %add3A_512 : i32 to vector<16xi32>
      %add3A_514 = arith.addi %add3A_482, %add3A_513 : vector<16xi32>
      %gather3A_515 = tpu.vector_load_idx %arg7[%add3A_514] : memref<16384xi32, #tpu.memory_space<vmem>>[vector<16xi32>], vector<16xi32>,
      %gather3A_516 = tpu.vector_load_idx %arg6[%gather3A_515] : memref<16384xi32, #tpu.memory_space<vmem>>[vector<16xi32>], vector<16xi32>,
      %shift_left3A_517 = arith.constant 3 : i32
      %shift_left3A_518 = vector.broadcast %shift_left3A_517 : i32 to vector<16xi32>
      %shift_left3A_519 = arith.shli %gather3A_516, %shift_left3A_518 : vector<16xi32>
      %add3A_520 = arith.addi %add3A_511, %shift_left3A_519 : vector<16xi32>
      %add3A_521 = arith.constant 4 : i32
      %add3A_522 = vector.broadcast %add3A_521 : i32 to vector<16xi32>
      %add3A_523 = arith.addi %add3A_482, %add3A_522 : vector<16xi32>
      %gather3A_524 = tpu.vector_load_idx %arg7[%add3A_523] : memref<16384xi32, #tpu.memory_space<vmem>>[vector<16xi32>], vector<16xi32>,
      %gather3A_525 = tpu.vector_load_idx %arg6[%gather3A_524] : memref<16384xi32, #tpu.memory_space<vmem>>[vector<16xi32>], vector<16xi32>,
      %shift_left3A_526 = arith.constant 4 : i32
      %shift_left3A_527 = vector.broadcast %shift_left3A_526 : i32 to vector<16xi32>
      %shift_left3A_528 = arith.shli %gather3A_525, %shift_left3A_527 : vector<16xi32>
      %add3A_529 = arith.addi %add3A_520, %shift_left3A_528 : vector<16xi32>
      %add3A_530 = arith.constant 5 : i32
      %add3A_531 = vector.broadcast %add3A_530 : i32 to vector<16xi32>
      %add3A_532 = arith.addi %add3A_482, %add3A_531 : vector<16xi32>
      %gather3A_533 = tpu.vector_load_idx %arg7[%add3A_532] : memref<16384xi32, #tpu.memory_space<vmem>>[vector<16xi32>], vector<16xi32>,
      %gather3A_534 = tpu.vector_load_idx %arg6[%gather3A_533] : memref<16384xi32, #tpu.memory_space<vmem>>[vector<16xi32>], vector<16xi32>,
      %shift_left3A_535 = arith.constant 5 : i32
      %shift_left3A_536 = vector.broadcast %shift_left3A_535 : i32 to vector<16xi32>
      %shift_left3A_537 = arith.shli %gather3A_534, %shift_left3A_536 : vector<16xi32>
      %add3A_538 = arith.addi %add3A_529, %shift_left3A_537 : vector<16xi32>
      %add3A_539 = arith.constant 6 : i32
      %add3A_540 = vector.broadcast %add3A_539 : i32 to vector<16xi32>
      %add3A_541 = arith.addi %add3A_482, %add3A_540 : vector<16xi32>
      %gather3A_542 = tpu.vector_load_idx %arg7[%add3A_541] : memref<16384xi32, #tpu.memory_space<vmem>>[vector<16xi32>], vector<16xi32>,
      %gather3A_543 = tpu.vector_load_idx %arg6[%gather3A_542] : memref<16384xi32, #tpu.memory_space<vmem>>[vector<16xi32>], vector<16xi32>,
      %shift_left3A_544 = arith.constant 6 : i32
      %shift_left3A_545 = vector.broadcast %shift_left3A_544 : i32 to vector<16xi32>
      %shift_left3A_546 = arith.shli %gather3A_543, %shift_left3A_545 : vector<16xi32>
      %add3A_547 = arith.addi %add3A_538, %shift_left3A_546 : vector<16xi32>
      %add3A_548 = arith.constant 7 : i32
      %add3A_549 = vector.broadcast %add3A_548 : i32 to vector<16xi32>
      %add3A_550 = arith.addi %add3A_482, %add3A_549 : vector<16xi32>
      %gather3A_551 = tpu.vector_load_idx %arg7[%add3A_550] : memref<16384xi32, #tpu.memory_space<vmem>>[vector<16xi32>], vector<16xi32>,
      %gather3A_552 = tpu.vector_load_idx %arg6[%gather3A_551] : memref<16384xi32, #tpu.memory_space<vmem>>[vector<16xi32>], vector<16xi32>,
      %shift_left3A_553 = arith.constant 7 : i32
      %shift_left3A_554 = vector.broadcast %shift_left3A_553 : i32 to vector<16xi32>
      %shift_left3A_555 = arith.shli %gather3A_552, %shift_left3A_554 : vector<16xi32>
      %add3A_556 = arith.addi %add3A_547, %shift_left3A_555 : vector<16xi32>
      %mul3A_557 = arith.constant 256 : i32
      %mul3A_558 = arith.muli %mul3A_478, %mul3A_557 : i32
      %add3A_559 = vector.broadcast %mul3A_558 : i32 to vector<16xi32>
      %add3A_560 = arith.addi %mul3A_12, %add3A_559 : vector<16xi32>
      %add3A_561 = arith.addi %add3A_560, %add3A_556 : vector<16xi32>
      %swap3A_562 = arith.index_cast %mul3A_478 : i32 to index
      %swap3A_563 = tpu.vector_load %arg8[%swap3A_562] {strides = array<i32>} : memref<2048xi32, #tpu.memory_space<vmem>>, vector<16xi32>,
      tpu.vector_store %arg8[%swap3A_562], %add3A_561 {strides = array<i32>} : memref<2048xi32, #tpu.memory_space<vmem>>, vector<16xi32>,
      %scan3A_564 = arith.constant 0 : i32
      scf.yield %scan3A_564 : i32
    }
    %scan3A_18 = arith.constant 128 : i32
    %dma_start3A = arith.constant 0 : i32
    %dma_start3A_19 = tpu.memref_slice %arg9[%dma_start3A] : memref<2048xf32, #tpu.memory_space<vmem>> -> memref<128xf32, #tpu.memory_space<vmem>>
    %dma_start3A_20 = arith.constant 0 : i32
    %dma_start3A_21 = tpu.memref_slice %arg8[%dma_start3A_20] : memref<2048xi32, #tpu.memory_space<vmem>> -> memref<128xi32, #tpu.memory_space<vmem>>
    %dma_start3A_22 = arith.constant 0 : i32
    %dma_start3A_23 = tpu.memref_slice %arg4[%dma_start3A_22] : memref<16777216xf32, #tpu.memory_space<hbm>> -> memref<16777216xf32, #tpu.memory_space<hbm>>
    tpu.enqueue_indirect_dma source(%dma_start3A_23 : memref<16777216xf32, #tpu.memory_space<hbm>>) target(%dma_start3A_19 : memref<128xf32, #tpu.memory_space<vmem>>) offsets(%dma_start3A_21 : memref<128xi32, #tpu.memory_space<vmem>>) semaphore(%arg10 : memref<!tpu.dma_semaphore, #tpu.memory_space<semaphore_mem>>)
    %dma_start3A_24 = arith.constant 128 : i32
    %dma_start3A_25 = tpu.memref_slice %arg9[%dma_start3A_24] : memref<2048xf32, #tpu.memory_space<vmem>> -> memref<128xf32, #tpu.memory_space<vmem>>
    %dma_start3A_26 = arith.constant 128 : i32
    %dma_start3A_27 = tpu.memref_slice %arg8[%dma_start3A_26] : memref<2048xi32, #tpu.memory_space<vmem>> -> memref<128xi32, #tpu.memory_space<vmem>>
    %dma_start3A_28 = arith.constant 0 : i32
    %dma_start3A_29 = tpu.memref_slice %arg4[%dma_start3A_28] : memref<16777216xf32, #tpu.memory_space<hbm>> -> memref<16777216xf32, #tpu.memory_space<hbm>>
    tpu.enqueue_indirect_dma source(%dma_start3A_29 : memref<16777216xf32, #tpu.memory_space<hbm>>) target(%dma_start3A_25 : memref<128xf32, #tpu.memory_space<vmem>>) offsets(%dma_start3A_27 : memref<128xi32, #tpu.memory_space<vmem>>) semaphore(%arg10 : memref<!tpu.dma_semaphore, #tpu.memory_space<semaphore_mem>>)
    %dma_start3A_30 = arith.constant 256 : i32
    %dma_start3A_31 = tpu.memref_slice %arg9[%dma_start3A_30] : memref<2048xf32, #tpu.memory_space<vmem>> -> memref<128xf32, #tpu.memory_space<vmem>>
    %dma_start3A_32 = arith.constant 256 : i32
    %dma_start3A_33 = tpu.memref_slice %arg8[%dma_start3A_32] : memref<2048xi32, #tpu.memory_space<vmem>> -> memref<128xi32, #tpu.memory_space<vmem>>
    %dma_start3A_34 = arith.constant 0 : i32
    %dma_start3A_35 = tpu.memref_slice %arg4[%dma_start3A_34] : memref<16777216xf32, #tpu.memory_space<hbm>> -> memref<16777216xf32, #tpu.memory_space<hbm>>
    tpu.enqueue_indirect_dma source(%dma_start3A_35 : memref<16777216xf32, #tpu.memory_space<hbm>>) target(%dma_start3A_31 : memref<128xf32, #tpu.memory_space<vmem>>) offsets(%dma_start3A_33 : memref<128xi32, #tpu.memory_space<vmem>>) semaphore(%arg10 : memref<!tpu.dma_semaphore, #tpu.memory_space<semaphore_mem>>)
    %dma_start3A_36 = arith.constant 384 : i32
    %dma_start3A_37 = tpu.memref_slice %arg9[%dma_start3A_36] : memref<2048xf32, #tpu.memory_space<vmem>> -> memref<128xf32, #tpu.memory_space<vmem>>
    %dma_start3A_38 = arith.constant 384 : i32
    %dma_start3A_39 = tpu.memref_slice %arg8[%dma_start3A_38] : memref<2048xi32, #tpu.memory_space<vmem>> -> memref<128xi32, #tpu.memory_space<vmem>>
    %dma_start3A_40 = arith.constant 0 : i32
    %dma_start3A_41 = tpu.memref_slice %arg4[%dma_start3A_40] : memref<16777216xf32, #tpu.memory_space<hbm>> -> memref<16777216xf32, #tpu.memory_space<hbm>>
    tpu.enqueue_indirect_dma source(%dma_start3A_41 : memref<16777216xf32, #tpu.memory_space<hbm>>) target(%dma_start3A_37 : memref<128xf32, #tpu.memory_space<vmem>>) offsets(%dma_start3A_39 : memref<128xi32, #tpu.memory_space<vmem>>) semaphore(%arg10 : memref<!tpu.dma_semaphore, #tpu.memory_space<semaphore_mem>>)
    %dma_start3A_42 = arith.constant 512 : i32
    %dma_start3A_43 = tpu.memref_slice %arg9[%dma_start3A_42] : memref<2048xf32, #tpu.memory_space<vmem>> -> memref<128xf32, #tpu.memory_space<vmem>>
    %dma_start3A_44 = arith.constant 512 : i32
    %dma_start3A_45 = tpu.memref_slice %arg8[%dma_start3A_44] : memref<2048xi32, #tpu.memory_space<vmem>> -> memref<128xi32, #tpu.memory_space<vmem>>
    %dma_start3A_46 = arith.constant 0 : i32
    %dma_start3A_47 = tpu.memref_slice %arg4[%dma_start3A_46] : memref<16777216xf32, #tpu.memory_space<hbm>> -> memref<16777216xf32, #tpu.memory_space<hbm>>
    tpu.enqueue_indirect_dma source(%dma_start3A_47 : memref<16777216xf32, #tpu.memory_space<hbm>>) target(%dma_start3A_43 : memref<128xf32, #tpu.memory_space<vmem>>) offsets(%dma_start3A_45 : memref<128xi32, #tpu.memory_space<vmem>>) semaphore(%arg10 : memref<!tpu.dma_semaphore, #tpu.memory_space<semaphore_mem>>)
    %dma_start3A_48 = arith.constant 640 : i32
    %dma_start3A_49 = tpu.memref_slice %arg9[%dma_start3A_48] : memref<2048xf32, #tpu.memory_space<vmem>> -> memref<128xf32, #tpu.memory_space<vmem>>
    %dma_start3A_50 = arith.constant 640 : i32
    %dma_start3A_51 = tpu.memref_slice %arg8[%dma_start3A_50] : memref<2048xi32, #tpu.memory_space<vmem>> -> memref<128xi32, #tpu.memory_space<vmem>>
    %dma_start3A_52 = arith.constant 0 : i32
    %dma_start3A_53 = tpu.memref_slice %arg4[%dma_start3A_52] : memref<16777216xf32, #tpu.memory_space<hbm>> -> memref<16777216xf32, #tpu.memory_space<hbm>>
    tpu.enqueue_indirect_dma source(%dma_start3A_53 : memref<16777216xf32, #tpu.memory_space<hbm>>) target(%dma_start3A_49 : memref<128xf32, #tpu.memory_space<vmem>>) offsets(%dma_start3A_51 : memref<128xi32, #tpu.memory_space<vmem>>) semaphore(%arg10 : memref<!tpu.dma_semaphore, #tpu.memory_space<semaphore_mem>>)
    %dma_start3A_54 = arith.constant 768 : i32
    %dma_start3A_55 = tpu.memref_slice %arg9[%dma_start3A_54] : memref<2048xf32, #tpu.memory_space<vmem>> -> memref<128xf32, #tpu.memory_space<vmem>>
    %dma_start3A_56 = arith.constant 768 : i32
    %dma_start3A_57 = tpu.memref_slice %arg8[%dma_start3A_56] : memref<2048xi32, #tpu.memory_space<vmem>> -> memref<128xi32, #tpu.memory_space<vmem>>
    %dma_start3A_58 = arith.constant 0 : i32
    %dma_start3A_59 = tpu.memref_slice %arg4[%dma_start3A_58] : memref<16777216xf32, #tpu.memory_space<hbm>> -> memref<16777216xf32, #tpu.memory_space<hbm>>
    tpu.enqueue_indirect_dma source(%dma_start3A_59 : memref<16777216xf32, #tpu.memory_space<hbm>>) target(%dma_start3A_55 : memref<128xf32, #tpu.memory_space<vmem>>) offsets(%dma_start3A_57 : memref<128xi32, #tpu.memory_space<vmem>>) semaphore(%arg10 : memref<!tpu.dma_semaphore, #tpu.memory_space<semaphore_mem>>)
    %dma_start3A_60 = arith.constant 896 : i32
    %dma_start3A_61 = tpu.memref_slice %arg9[%dma_start3A_60] : memref<2048xf32, #tpu.memory_space<vmem>> -> memref<128xf32, #tpu.memory_space<vmem>>
    %dma_start3A_62 = arith.constant 896 : i32
    %dma_start3A_63 = tpu.memref_slice %arg8[%dma_start3A_62] : memref<2048xi32, #tpu.memory_space<vmem>> -> memref<128xi32, #tpu.memory_space<vmem>>
    %dma_start3A_64 = arith.constant 0 : i32
    %dma_start3A_65 = tpu.memref_slice %arg4[%dma_start3A_64] : memref<16777216xf32, #tpu.memory_space<hbm>> -> memref<16777216xf32, #tpu.memory_space<hbm>>
    tpu.enqueue_indirect_dma source(%dma_start3A_65 : memref<16777216xf32, #tpu.memory_space<hbm>>) target(%dma_start3A_61 : memref<128xf32, #tpu.memory_space<vmem>>) offsets(%dma_start3A_63 : memref<128xi32, #tpu.memory_space<vmem>>) semaphore(%arg10 : memref<!tpu.dma_semaphore, #tpu.memory_space<semaphore_mem>>)
    %dma_start3A_66 = arith.constant 1024 : i32
    %dma_start3A_67 = tpu.memref_slice %arg9[%dma_start3A_66] : memref<2048xf32, #tpu.memory_space<vmem>> -> memref<128xf32, #tpu.memory_space<vmem>>
    %dma_start3A_68 = arith.constant 1024 : i32
    %dma_start3A_69 = tpu.memref_slice %arg8[%dma_start3A_68] : memref<2048xi32, #tpu.memory_space<vmem>> -> memref<128xi32, #tpu.memory_space<vmem>>
    %dma_start3A_70 = arith.constant 0 : i32
    %dma_start3A_71 = tpu.memref_slice %arg4[%dma_start3A_70] : memref<16777216xf32, #tpu.memory_space<hbm>> -> memref<16777216xf32, #tpu.memory_space<hbm>>
    tpu.enqueue_indirect_dma source(%dma_start3A_71 : memref<16777216xf32, #tpu.memory_space<hbm>>) target(%dma_start3A_67 : memref<128xf32, #tpu.memory_space<vmem>>) offsets(%dma_start3A_69 : memref<128xi32, #tpu.memory_space<vmem>>) semaphore(%arg10 : memref<!tpu.dma_semaphore, #tpu.memory_space<semaphore_mem>>)
    %dma_start3A_72 = arith.constant 1152 : i32
    %dma_start3A_73 = tpu.memref_slice %arg9[%dma_start3A_72] : memref<2048xf32, #tpu.memory_space<vmem>> -> memref<128xf32, #tpu.memory_space<vmem>>
    %dma_start3A_74 = arith.constant 1152 : i32
    %dma_start3A_75 = tpu.memref_slice %arg8[%dma_start3A_74] : memref<2048xi32, #tpu.memory_space<vmem>> -> memref<128xi32, #tpu.memory_space<vmem>>
    %dma_start3A_76 = arith.constant 0 : i32
    %dma_start3A_77 = tpu.memref_slice %arg4[%dma_start3A_76] : memref<16777216xf32, #tpu.memory_space<hbm>> -> memref<16777216xf32, #tpu.memory_space<hbm>>
    tpu.enqueue_indirect_dma source(%dma_start3A_77 : memref<16777216xf32, #tpu.memory_space<hbm>>) target(%dma_start3A_73 : memref<128xf32, #tpu.memory_space<vmem>>) offsets(%dma_start3A_75 : memref<128xi32, #tpu.memory_space<vmem>>) semaphore(%arg10 : memref<!tpu.dma_semaphore, #tpu.memory_space<semaphore_mem>>)
    %dma_start3A_78 = arith.constant 1280 : i32
    %dma_start3A_79 = tpu.memref_slice %arg9[%dma_start3A_78] : memref<2048xf32, #tpu.memory_space<vmem>> -> memref<128xf32, #tpu.memory_space<vmem>>
    %dma_start3A_80 = arith.constant 1280 : i32
    %dma_start3A_81 = tpu.memref_slice %arg8[%dma_start3A_80] : memref<2048xi32, #tpu.memory_space<vmem>> -> memref<128xi32, #tpu.memory_space<vmem>>
    %dma_start3A_82 = arith.constant 0 : i32
    %dma_start3A_83 = tpu.memref_slice %arg4[%dma_start3A_82] : memref<16777216xf32, #tpu.memory_space<hbm>> -> memref<16777216xf32, #tpu.memory_space<hbm>>
    tpu.enqueue_indirect_dma source(%dma_start3A_83 : memref<16777216xf32, #tpu.memory_space<hbm>>) target(%dma_start3A_79 : memref<128xf32, #tpu.memory_space<vmem>>) offsets(%dma_start3A_81 : memref<128xi32, #tpu.memory_space<vmem>>) semaphore(%arg10 : memref<!tpu.dma_semaphore, #tpu.memory_space<semaphore_mem>>)
    %dma_start3A_84 = arith.constant 1408 : i32
    %dma_start3A_85 = tpu.memref_slice %arg9[%dma_start3A_84] : memref<2048xf32, #tpu.memory_space<vmem>> -> memref<128xf32, #tpu.memory_space<vmem>>
    %dma_start3A_86 = arith.constant 1408 : i32
    %dma_start3A_87 = tpu.memref_slice %arg8[%dma_start3A_86] : memref<2048xi32, #tpu.memory_space<vmem>> -> memref<128xi32, #tpu.memory_space<vmem>>
    %dma_start3A_88 = arith.constant 0 : i32
    %dma_start3A_89 = tpu.memref_slice %arg4[%dma_start3A_88] : memref<16777216xf32, #tpu.memory_space<hbm>> -> memref<16777216xf32, #tpu.memory_space<hbm>>
    tpu.enqueue_indirect_dma source(%dma_start3A_89 : memref<16777216xf32, #tpu.memory_space<hbm>>) target(%dma_start3A_85 : memref<128xf32, #tpu.memory_space<vmem>>) offsets(%dma_start3A_87 : memref<128xi32, #tpu.memory_space<vmem>>) semaphore(%arg10 : memref<!tpu.dma_semaphore, #tpu.memory_space<semaphore_mem>>)
    %dma_start3A_90 = arith.constant 1536 : i32
    %dma_start3A_91 = tpu.memref_slice %arg9[%dma_start3A_90] : memref<2048xf32, #tpu.memory_space<vmem>> -> memref<128xf32, #tpu.memory_space<vmem>>
    %dma_start3A_92 = arith.constant 1536 : i32
    %dma_start3A_93 = tpu.memref_slice %arg8[%dma_start3A_92] : memref<2048xi32, #tpu.memory_space<vmem>> -> memref<128xi32, #tpu.memory_space<vmem>>
    %dma_start3A_94 = arith.constant 0 : i32
    %dma_start3A_95 = tpu.memref_slice %arg4[%dma_start3A_94] : memref<16777216xf32, #tpu.memory_space<hbm>> -> memref<16777216xf32, #tpu.memory_space<hbm>>
    tpu.enqueue_indirect_dma source(%dma_start3A_95 : memref<16777216xf32, #tpu.memory_space<hbm>>) target(%dma_start3A_91 : memref<128xf32, #tpu.memory_space<vmem>>) offsets(%dma_start3A_93 : memref<128xi32, #tpu.memory_space<vmem>>) semaphore(%arg10 : memref<!tpu.dma_semaphore, #tpu.memory_space<semaphore_mem>>)
    %dma_start3A_96 = arith.constant 1664 : i32
    %dma_start3A_97 = tpu.memref_slice %arg9[%dma_start3A_96] : memref<2048xf32, #tpu.memory_space<vmem>> -> memref<128xf32, #tpu.memory_space<vmem>>
    %dma_start3A_98 = arith.constant 1664 : i32
    %dma_start3A_99 = tpu.memref_slice %arg8[%dma_start3A_98] : memref<2048xi32, #tpu.memory_space<vmem>> -> memref<128xi32, #tpu.memory_space<vmem>>
    %dma_start3A_100 = arith.constant 0 : i32
    %dma_start3A_101 = tpu.memref_slice %arg4[%dma_start3A_100] : memref<16777216xf32, #tpu.memory_space<hbm>> -> memref<16777216xf32, #tpu.memory_space<hbm>>
    tpu.enqueue_indirect_dma source(%dma_start3A_101 : memref<16777216xf32, #tpu.memory_space<hbm>>) target(%dma_start3A_97 : memref<128xf32, #tpu.memory_space<vmem>>) offsets(%dma_start3A_99 : memref<128xi32, #tpu.memory_space<vmem>>) semaphore(%arg10 : memref<!tpu.dma_semaphore, #tpu.memory_space<semaphore_mem>>)
    %dma_start3A_102 = arith.constant 1792 : i32
    %dma_start3A_103 = tpu.memref_slice %arg9[%dma_start3A_102] : memref<2048xf32, #tpu.memory_space<vmem>> -> memref<128xf32, #tpu.memory_space<vmem>>
    %dma_start3A_104 = arith.constant 1792 : i32
    %dma_start3A_105 = tpu.memref_slice %arg8[%dma_start3A_104] : memref<2048xi32, #tpu.memory_space<vmem>> -> memref<128xi32, #tpu.memory_space<vmem>>
    %dma_start3A_106 = arith.constant 0 : i32
    %dma_start3A_107 = tpu.memref_slice %arg4[%dma_start3A_106] : memref<16777216xf32, #tpu.memory_space<hbm>> -> memref<16777216xf32, #tpu.memory_space<hbm>>
    tpu.enqueue_indirect_dma source(%dma_start3A_107 : memref<16777216xf32, #tpu.memory_space<hbm>>) target(%dma_start3A_103 : memref<128xf32, #tpu.memory_space<vmem>>) offsets(%dma_start3A_105 : memref<128xi32, #tpu.memory_space<vmem>>) semaphore(%arg10 : memref<!tpu.dma_semaphore, #tpu.memory_space<semaphore_mem>>)
    %dma_start3A_108 = arith.constant 1920 : i32
    %dma_start3A_109 = tpu.memref_slice %arg9[%dma_start3A_108] : memref<2048xf32, #tpu.memory_space<vmem>> -> memref<128xf32, #tpu.memory_space<vmem>>
    %dma_start3A_110 = arith.constant 1920 : i32
    %dma_start3A_111 = tpu.memref_slice %arg8[%dma_start3A_110] : memref<2048xi32, #tpu.memory_space<vmem>> -> memref<128xi32, #tpu.memory_space<vmem>>
    %dma_start3A_112 = arith.constant 0 : i32
    %dma_start3A_113 = tpu.memref_slice %arg4[%dma_start3A_112] : memref<16777216xf32, #tpu.memory_space<hbm>> -> memref<16777216xf32, #tpu.memory_space<hbm>>
    tpu.enqueue_indirect_dma source(%dma_start3A_113 : memref<16777216xf32, #tpu.memory_space<hbm>>) target(%dma_start3A_109 : memref<128xf32, #tpu.memory_space<vmem>>) offsets(%dma_start3A_111 : memref<128xi32, #tpu.memory_space<vmem>>) semaphore(%arg10 : memref<!tpu.dma_semaphore, #tpu.memory_space<semaphore_mem>>)
    %dma_wait3A = arith.constant 0 : i32
    %dma_wait3A_114 = tpu.memref_slice %arg9[%dma_wait3A] : memref<2048xf32, #tpu.memory_space<vmem>> -> memref<128xf32, #tpu.memory_space<vmem>>
    %dma_wait3A_115 = arith.constant 0 : i32
    %dma_wait3A_116 = tpu.memref_slice %arg8[%dma_wait3A_115] : memref<2048xi32, #tpu.memory_space<vmem>> -> memref<128xi32, #tpu.memory_space<vmem>>
    %dma_wait3A_117 = arith.constant 0 : i32
    %dma_wait3A_118 = tpu.memref_slice %arg4[%dma_wait3A_117] : memref<16777216xf32, #tpu.memory_space<hbm>> -> memref<16777216xf32, #tpu.memory_space<hbm>>
    tpu.wait_indirect_dma semaphore(%arg10 : memref<!tpu.dma_semaphore, #tpu.memory_space<semaphore_mem>>) src(%dma_wait3A_118 : memref<16777216xf32, #tpu.memory_space<hbm>>) dst(%dma_wait3A_114 : memref<128xf32, #tpu.memory_space<vmem>>)
    %dma_wait3A_119 = arith.constant 128 : i32
    %dma_wait3A_120 = tpu.memref_slice %arg9[%dma_wait3A_119] : memref<2048xf32, #tpu.memory_space<vmem>> -> memref<128xf32, #tpu.memory_space<vmem>>
    %dma_wait3A_121 = arith.constant 128 : i32
    %dma_wait3A_122 = tpu.memref_slice %arg8[%dma_wait3A_121] : memref<2048xi32, #tpu.memory_space<vmem>> -> memref<128xi32, #tpu.memory_space<vmem>>
    %dma_wait3A_123 = arith.constant 0 : i32
    %dma_wait3A_124 = tpu.memref_slice %arg4[%dma_wait3A_123] : memref<16777216xf32, #tpu.memory_space<hbm>> -> memref<16777216xf32, #tpu.memory_space<hbm>>
    tpu.wait_indirect_dma semaphore(%arg10 : memref<!tpu.dma_semaphore, #tpu.memory_space<semaphore_mem>>) src(%dma_wait3A_124 : memref<16777216xf32, #tpu.memory_space<hbm>>) dst(%dma_wait3A_120 : memref<128xf32, #tpu.memory_space<vmem>>)
    %dma_wait3A_125 = arith.constant 256 : i32
    %dma_wait3A_126 = tpu.memref_slice %arg9[%dma_wait3A_125] : memref<2048xf32, #tpu.memory_space<vmem>> -> memref<128xf32, #tpu.memory_space<vmem>>
    %dma_wait3A_127 = arith.constant 256 : i32
    %dma_wait3A_128 = tpu.memref_slice %arg8[%dma_wait3A_127] : memref<2048xi32, #tpu.memory_space<vmem>> -> memref<128xi32, #tpu.memory_space<vmem>>
    %dma_wait3A_129 = arith.constant 0 : i32
    %dma_wait3A_130 = tpu.memref_slice %arg4[%dma_wait3A_129] : memref<16777216xf32, #tpu.memory_space<hbm>> -> memref<16777216xf32, #tpu.memory_space<hbm>>
    tpu.wait_indirect_dma semaphore(%arg10 : memref<!tpu.dma_semaphore, #tpu.memory_space<semaphore_mem>>) src(%dma_wait3A_130 : memref<16777216xf32, #tpu.memory_space<hbm>>) dst(%dma_wait3A_126 : memref<128xf32, #tpu.memory_space<vmem>>)
    %dma_wait3A_131 = arith.constant 384 : i32
    %dma_wait3A_132 = tpu.memref_slice %arg9[%dma_wait3A_131] : memref<2048xf32, #tpu.memory_space<vmem>> -> memref<128xf32, #tpu.memory_space<vmem>>
    %dma_wait3A_133 = arith.constant 384 : i32
    %dma_wait3A_134 = tpu.memref_slice %arg8[%dma_wait3A_133] : memref<2048xi32, #tpu.memory_space<vmem>> -> memref<128xi32, #tpu.memory_space<vmem>>
    %dma_wait3A_135 = arith.constant 0 : i32
    %dma_wait3A_136 = tpu.memref_slice %arg4[%dma_wait3A_135] : memref<16777216xf32, #tpu.memory_space<hbm>> -> memref<16777216xf32, #tpu.memory_space<hbm>>
    tpu.wait_indirect_dma semaphore(%arg10 : memref<!tpu.dma_semaphore, #tpu.memory_space<semaphore_mem>>) src(%dma_wait3A_136 : memref<16777216xf32, #tpu.memory_space<hbm>>) dst(%dma_wait3A_132 : memref<128xf32, #tpu.memory_space<vmem>>)
    %dma_wait3A_137 = arith.constant 512 : i32
    %dma_wait3A_138 = tpu.memref_slice %arg9[%dma_wait3A_137] : memref<2048xf32, #tpu.memory_space<vmem>> -> memref<128xf32, #tpu.memory_space<vmem>>
    %dma_wait3A_139 = arith.constant 512 : i32
    %dma_wait3A_140 = tpu.memref_slice %arg8[%dma_wait3A_139] : memref<2048xi32, #tpu.memory_space<vmem>> -> memref<128xi32, #tpu.memory_space<vmem>>
    %dma_wait3A_141 = arith.constant 0 : i32
    %dma_wait3A_142 = tpu.memref_slice %arg4[%dma_wait3A_141] : memref<16777216xf32, #tpu.memory_space<hbm>> -> memref<16777216xf32, #tpu.memory_space<hbm>>
    tpu.wait_indirect_dma semaphore(%arg10 : memref<!tpu.dma_semaphore, #tpu.memory_space<semaphore_mem>>) src(%dma_wait3A_142 : memref<16777216xf32, #tpu.memory_space<hbm>>) dst(%dma_wait3A_138 : memref<128xf32, #tpu.memory_space<vmem>>)
    %dma_wait3A_143 = arith.constant 640 : i32
    %dma_wait3A_144 = tpu.memref_slice %arg9[%dma_wait3A_143] : memref<2048xf32, #tpu.memory_space<vmem>> -> memref<128xf32, #tpu.memory_space<vmem>>
    %dma_wait3A_145 = arith.constant 640 : i32
    %dma_wait3A_146 = tpu.memref_slice %arg8[%dma_wait3A_145] : memref<2048xi32, #tpu.memory_space<vmem>> -> memref<128xi32, #tpu.memory_space<vmem>>
    %dma_wait3A_147 = arith.constant 0 : i32
    %dma_wait3A_148 = tpu.memref_slice %arg4[%dma_wait3A_147] : memref<16777216xf32, #tpu.memory_space<hbm>> -> memref<16777216xf32, #tpu.memory_space<hbm>>
    tpu.wait_indirect_dma semaphore(%arg10 : memref<!tpu.dma_semaphore, #tpu.memory_space<semaphore_mem>>) src(%dma_wait3A_148 : memref<16777216xf32, #tpu.memory_space<hbm>>) dst(%dma_wait3A_144 : memref<128xf32, #tpu.memory_space<vmem>>)
    %dma_wait3A_149 = arith.constant 768 : i32
    %dma_wait3A_150 = tpu.memref_slice %arg9[%dma_wait3A_149] : memref<2048xf32, #tpu.memory_space<vmem>> -> memref<128xf32, #tpu.memory_space<vmem>>
    %dma_wait3A_151 = arith.constant 768 : i32
    %dma_wait3A_152 = tpu.memref_slice %arg8[%dma_wait3A_151] : memref<2048xi32, #tpu.memory_space<vmem>> -> memref<128xi32, #tpu.memory_space<vmem>>
    %dma_wait3A_153 = arith.constant 0 : i32
    %dma_wait3A_154 = tpu.memref_slice %arg4[%dma_wait3A_153] : memref<16777216xf32, #tpu.memory_space<hbm>> -> memref<16777216xf32, #tpu.memory_space<hbm>>
    tpu.wait_indirect_dma semaphore(%arg10 : memref<!tpu.dma_semaphore, #tpu.memory_space<semaphore_mem>>) src(%dma_wait3A_154 : memref<16777216xf32, #tpu.memory_space<hbm>>) dst(%dma_wait3A_150 : memref<128xf32, #tpu.memory_space<vmem>>)
    %dma_wait3A_155 = arith.constant 896 : i32
    %dma_wait3A_156 = tpu.memref_slice %arg9[%dma_wait3A_155] : memref<2048xf32, #tpu.memory_space<vmem>> -> memref<128xf32, #tpu.memory_space<vmem>>
    %dma_wait3A_157 = arith.constant 896 : i32
    %dma_wait3A_158 = tpu.memref_slice %arg8[%dma_wait3A_157] : memref<2048xi32, #tpu.memory_space<vmem>> -> memref<128xi32, #tpu.memory_space<vmem>>
    %dma_wait3A_159 = arith.constant 0 : i32
    %dma_wait3A_160 = tpu.memref_slice %arg4[%dma_wait3A_159] : memref<16777216xf32, #tpu.memory_space<hbm>> -> memref<16777216xf32, #tpu.memory_space<hbm>>
    tpu.wait_indirect_dma semaphore(%arg10 : memref<!tpu.dma_semaphore, #tpu.memory_space<semaphore_mem>>) src(%dma_wait3A_160 : memref<16777216xf32, #tpu.memory_space<hbm>>) dst(%dma_wait3A_156 : memref<128xf32, #tpu.memory_space<vmem>>)
    %dma_wait3A_161 = arith.constant 1024 : i32
    %dma_wait3A_162 = tpu.memref_slice %arg9[%dma_wait3A_161] : memref<2048xf32, #tpu.memory_space<vmem>> -> memref<128xf32, #tpu.memory_space<vmem>>
    %dma_wait3A_163 = arith.constant 1024 : i32
    %dma_wait3A_164 = tpu.memref_slice %arg8[%dma_wait3A_163] : memref<2048xi32, #tpu.memory_space<vmem>> -> memref<128xi32, #tpu.memory_space<vmem>>
    %dma_wait3A_165 = arith.constant 0 : i32
    %dma_wait3A_166 = tpu.memref_slice %arg4[%dma_wait3A_165] : memref<16777216xf32, #tpu.memory_space<hbm>> -> memref<16777216xf32, #tpu.memory_space<hbm>>
    tpu.wait_indirect_dma semaphore(%arg10 : memref<!tpu.dma_semaphore, #tpu.memory_space<semaphore_mem>>) src(%dma_wait3A_166 : memref<16777216xf32, #tpu.memory_space<hbm>>) dst(%dma_wait3A_162 : memref<128xf32, #tpu.memory_space<vmem>>)
    %dma_wait3A_167 = arith.constant 1152 : i32
    %dma_wait3A_168 = tpu.memref_slice %arg9[%dma_wait3A_167] : memref<2048xf32, #tpu.memory_space<vmem>> -> memref<128xf32, #tpu.memory_space<vmem>>
    %dma_wait3A_169 = arith.constant 1152 : i32
    %dma_wait3A_170 = tpu.memref_slice %arg8[%dma_wait3A_169] : memref<2048xi32, #tpu.memory_space<vmem>> -> memref<128xi32, #tpu.memory_space<vmem>>
    %dma_wait3A_171 = arith.constant 0 : i32
    %dma_wait3A_172 = tpu.memref_slice %arg4[%dma_wait3A_171] : memref<16777216xf32, #tpu.memory_space<hbm>> -> memref<16777216xf32, #tpu.memory_space<hbm>>
    tpu.wait_indirect_dma semaphore(%arg10 : memref<!tpu.dma_semaphore, #tpu.memory_space<semaphore_mem>>) src(%dma_wait3A_172 : memref<16777216xf32, #tpu.memory_space<hbm>>) dst(%dma_wait3A_168 : memref<128xf32, #tpu.memory_space<vmem>>)
    %dma_wait3A_173 = arith.constant 1280 : i32
    %dma_wait3A_174 = tpu.memref_slice %arg9[%dma_wait3A_173] : memref<2048xf32, #tpu.memory_space<vmem>> -> memref<128xf32, #tpu.memory_space<vmem>>
    %dma_wait3A_175 = arith.constant 1280 : i32
    %dma_wait3A_176 = tpu.memref_slice %arg8[%dma_wait3A_175] : memref<2048xi32, #tpu.memory_space<vmem>> -> memref<128xi32, #tpu.memory_space<vmem>>
    %dma_wait3A_177 = arith.constant 0 : i32
    %dma_wait3A_178 = tpu.memref_slice %arg4[%dma_wait3A_177] : memref<16777216xf32, #tpu.memory_space<hbm>> -> memref<16777216xf32, #tpu.memory_space<hbm>>
    tpu.wait_indirect_dma semaphore(%arg10 : memref<!tpu.dma_semaphore, #tpu.memory_space<semaphore_mem>>) src(%dma_wait3A_178 : memref<16777216xf32, #tpu.memory_space<hbm>>) dst(%dma_wait3A_174 : memref<128xf32, #tpu.memory_space<vmem>>)
    %dma_wait3A_179 = arith.constant 1408 : i32
    %dma_wait3A_180 = tpu.memref_slice %arg9[%dma_wait3A_179] : memref<2048xf32, #tpu.memory_space<vmem>> -> memref<128xf32, #tpu.memory_space<vmem>>
    %dma_wait3A_181 = arith.constant 1408 : i32
    %dma_wait3A_182 = tpu.memref_slice %arg8[%dma_wait3A_181] : memref<2048xi32, #tpu.memory_space<vmem>> -> memref<128xi32, #tpu.memory_space<vmem>>
    %dma_wait3A_183 = arith.constant 0 : i32
    %dma_wait3A_184 = tpu.memref_slice %arg4[%dma_wait3A_183] : memref<16777216xf32, #tpu.memory_space<hbm>> -> memref<16777216xf32, #tpu.memory_space<hbm>>
    tpu.wait_indirect_dma semaphore(%arg10 : memref<!tpu.dma_semaphore, #tpu.memory_space<semaphore_mem>>) src(%dma_wait3A_184 : memref<16777216xf32, #tpu.memory_space<hbm>>) dst(%dma_wait3A_180 : memref<128xf32, #tpu.memory_space<vmem>>)
    %dma_wait3A_185 = arith.constant 1536 : i32
    %dma_wait3A_186 = tpu.memref_slice %arg9[%dma_wait3A_185] : memref<2048xf32, #tpu.memory_space<vmem>> -> memref<128xf32, #tpu.memory_space<vmem>>
    %dma_wait3A_187 = arith.constant 1536 : i32
    %dma_wait3A_188 = tpu.memref_slice %arg8[%dma_wait3A_187] : memref<2048xi32, #tpu.memory_space<vmem>> -> memref<128xi32, #tpu.memory_space<vmem>>
    %dma_wait3A_189 = arith.constant 0 : i32
    %dma_wait3A_190 = tpu.memref_slice %arg4[%dma_wait3A_189] : memref<16777216xf32, #tpu.memory_space<hbm>> -> memref<16777216xf32, #tpu.memory_space<hbm>>
    tpu.wait_indirect_dma semaphore(%arg10 : memref<!tpu.dma_semaphore, #tpu.memory_space<semaphore_mem>>) src(%dma_wait3A_190 : memref<16777216xf32, #tpu.memory_space<hbm>>) dst(%dma_wait3A_186 : memref<128xf32, #tpu.memory_space<vmem>>)
    %dma_wait3A_191 = arith.constant 1664 : i32
    %dma_wait3A_192 = tpu.memref_slice %arg9[%dma_wait3A_191] : memref<2048xf32, #tpu.memory_space<vmem>> -> memref<128xf32, #tpu.memory_space<vmem>>
    %dma_wait3A_193 = arith.constant 1664 : i32
    %dma_wait3A_194 = tpu.memref_slice %arg8[%dma_wait3A_193] : memref<2048xi32, #tpu.memory_space<vmem>> -> memref<128xi32, #tpu.memory_space<vmem>>
    %dma_wait3A_195 = arith.constant 0 : i32
    %dma_wait3A_196 = tpu.memref_slice %arg4[%dma_wait3A_195] : memref<16777216xf32, #tpu.memory_space<hbm>> -> memref<16777216xf32, #tpu.memory_space<hbm>>
    tpu.wait_indirect_dma semaphore(%arg10 : memref<!tpu.dma_semaphore, #tpu.memory_space<semaphore_mem>>) src(%dma_wait3A_196 : memref<16777216xf32, #tpu.memory_space<hbm>>) dst(%dma_wait3A_192 : memref<128xf32, #tpu.memory_space<vmem>>)
    %dma_wait3A_197 = arith.constant 1792 : i32
    %dma_wait3A_198 = tpu.memref_slice %arg9[%dma_wait3A_197] : memref<2048xf32, #tpu.memory_space<vmem>> -> memref<128xf32, #tpu.memory_space<vmem>>
    %dma_wait3A_199 = arith.constant 1792 : i32
    %dma_wait3A_200 = tpu.memref_slice %arg8[%dma_wait3A_199] : memref<2048xi32, #tpu.memory_space<vmem>> -> memref<128xi32, #tpu.memory_space<vmem>>
    %dma_wait3A_201 = arith.constant 0 : i32
    %dma_wait3A_202 = tpu.memref_slice %arg4[%dma_wait3A_201] : memref<16777216xf32, #tpu.memory_space<hbm>> -> memref<16777216xf32, #tpu.memory_space<hbm>>
    tpu.wait_indirect_dma semaphore(%arg10 : memref<!tpu.dma_semaphore, #tpu.memory_space<semaphore_mem>>) src(%dma_wait3A_202 : memref<16777216xf32, #tpu.memory_space<hbm>>) dst(%dma_wait3A_198 : memref<128xf32, #tpu.memory_space<vmem>>)
    %dma_wait3A_203 = arith.constant 1920 : i32
    %dma_wait3A_204 = tpu.memref_slice %arg9[%dma_wait3A_203] : memref<2048xf32, #tpu.memory_space<vmem>> -> memref<128xf32, #tpu.memory_space<vmem>>
    %dma_wait3A_205 = arith.constant 1920 : i32
    %dma_wait3A_206 = tpu.memref_slice %arg8[%dma_wait3A_205] : memref<2048xi32, #tpu.memory_space<vmem>> -> memref<128xi32, #tpu.memory_space<vmem>>
    %dma_wait3A_207 = arith.constant 0 : i32
    %dma_wait3A_208 = tpu.memref_slice %arg4[%dma_wait3A_207] : memref<16777216xf32, #tpu.memory_space<hbm>> -> memref<16777216xf32, #tpu.memory_space<hbm>>
    tpu.wait_indirect_dma semaphore(%arg10 : memref<!tpu.dma_semaphore, #tpu.memory_space<semaphore_mem>>) src(%dma_wait3A_208 : memref<16777216xf32, #tpu.memory_space<hbm>>) dst(%dma_wait3A_204 : memref<128xf32, #tpu.memory_space<vmem>>)
    "tpu.region"() ({
      %run_scoped3A = tpu.sem_alloc : memref<!tpu.dma_semaphore, #tpu.memory_space<semaphore_mem>>
      %dma_start3A_209 = tpu.memref_slice %arg5[%mul3A_2] : memref<65536xf32, #tpu.memory_space<hbm>> -> memref<2048xf32, #tpu.memory_space<hbm>>
      %dma_start3A_210 = tpu.memref_slice %arg5[%mul3A_2] : memref<65536xf32, #tpu.memory_space<hbm>> -> memref<2048xf32, #tpu.memory_space<hbm>>
      tpu.enqueue_dma source(%arg9 : memref<2048xf32, #tpu.memory_space<vmem>>) target(%dma_start3A_210 : memref<2048xf32, #tpu.memory_space<hbm>>) target_semaphore(%run_scoped3A : memref<!tpu.dma_semaphore, #tpu.memory_space<semaphore_mem>>)
      %dma_wait3A_211 = tpu.memref_slice %arg5[%mul3A_2] : memref<65536xf32, #tpu.memory_space<hbm>> -> memref<2048xf32, #tpu.memory_space<hbm>>
      %dma_wait3A_212 = tpu.memref_slice %arg5[%mul3A_2] : memref<65536xf32, #tpu.memory_space<hbm>> -> memref<2048xf32, #tpu.memory_space<hbm>>
      tpu.wait_dma2 semaphore(%run_scoped3A : memref<!tpu.dma_semaphore, #tpu.memory_space<semaphore_mem>>) src(%arg9 : memref<2048xf32, #tpu.memory_space<vmem>>) dst(%dma_wait3A_212 : memref<2048xf32, #tpu.memory_space<hbm>>)
      tpu.yield
    }) : () -> ()
    return
  }
}

</mosaic_0001>

<sc_bundles>
// kernel: _run.3.cloned.1.call-start
scs
__scs_entry_jumppad:
0x0: {  	(pc) =	sbr.rel $0x88, $3  }
0x1: {  	(tag) =	ssettag $0x0;
	lr =	simm.s32 $0x1  }
0x2: {  	[smem:$0x3F9E] =	sst lr;
	_ =	strace $0xD0000000  }
0x3: {  	_ = 	snop  }
0x4: {  	_ = 	snop  }
0x5: {  	_ = 	snop  }
0x6: {  	_ = 	snop  }
0x7: {  	_ = 	snop  }
__scs_overlays_trampoline_lowered:
0x8: {  	[smem:$0x3FAD] =	sst s0  }
0x9: {  	[smem:$0x3FAE] =	sst s1  }
0xa: {  	[smem:$0x3FAF] =	sst s2  }
0xb: {  	[smem:$0x3FB0] =	sst s3  }
0xc: {  	[smem:$0x3FB1] =	sst s4  }
0xd: {  	[smem:$0x3FB2] =	sst s5  }
0xe: {  	[smem:$0x3FB3] =	sst s6  }
0xf: {  	[smem:$0x3FB4] =	sst s7  }
0x10: {  	[smem:$0x3FB5] =	sst s8  }
0x11: {  	[smem:$0x3FB6] =	sst s9;
	s0 =	simm.s32 @!p0 $0x0  }
0x12: {  	s1 =	sld [smem:$0x3F9C];
	s0 =	simm.s32 @p0 $0x1  }
0x13: {  	[smem:$0x3FB7] =	sst s0;
	s0 =	simm.s32 @!p1 $0x0  }
0x14: {  	s2 =	sld [smem:$0x3F9B];
	s0 =	simm.s32 @p1 $0x1  }
0x15: {  	[smem:$0x3FB8] =	sst s0;
	s0 =	simm.s32 @!p2 $0x0  }
0x16: {  	s3 =	sld [smem:$0x3FDB];
	s0 =	simm.s32 @p2 $0x1  }
0x17: {  	s4 =	simm.s32 $0x1BF5;
	[smem:$0x3FBA] =	sst s0  }
0x18: {  	s0 =	sld [smem:$0x3F9D];
	_ =	swait.ge [sflag:s4], $0x0  }
0x19: {  	s7 =	sld [smem:$0x3F9E]  }
0x1a: {  	s8 =	sadd.s32 $0xFFFFE003, lr  }
0x1b: {  	s9 =	sadd.s32 $0xFFFFFEF7, lr;
	s5 =	simm.s32 $0xFFFFFFFF;
	p2 =	slt.u32 s8, $0xFFFFF086  }
0x1c: {  	p1 =	slt.u32 s9, $0xF7A;
	s5 =	simm.s32 @!p2 $0x0  }
0x1d: {  	s5 =	simm.s32 @p1 $0x1;
	p0 =	seq.s32 s7, s2  }
0x1e: {  	s7 =	smul.u32 @!p0 $0xF7A, s2;
	p2 =	seq.s32 @!p0 s5, $0x0  }
0x1f: {  	s9 =	smul.u32 $0xF7A, s1;
	s8 =	simm.s32 @!p0 $0x1BF5;
	p2 =	por !p2, p0  }
0x20: {  	[sflag:s8] =	ssyncset.s32 @!p0 $0xFFFFF086;
	s6 =	sadd.s32 @!p0 s3, s7;
	s7 =	simm.s32 @!p0 $0x108  }
0x21: {  	s3 =	sadd.s32 s3, s9;
	s6 =	sadd.s32 @!p0 $0x88, s6;
	s7 =	simm.s32 @p2 $0x1082  }
0x22: {  	[simem:s7], [sflag:s8] =	dma.local @!p0 [hbm:s6], $0xF7A  }
0x23: {  	s9 =	sor.u32 $0xD0000000, s2;
	s6 =	simm.s32 $0x108;
	_ =	swait.ge @!p0 [sflag:s8], $0x0  }
0x24: {  	s3 =	sadd.s32 $0x88, s3;
	s6 =	simm.s32 @!p1 $0x1082;
	[sflag:s4] =	ssyncset.s32 $0xFFFFF086  }
0x25: {  	[simem:s6], [sflag:s4] =	dma.local [hbm:s3], $0xF7A  }
0x26: {  	[smem:$0x3F9E] =	sst s1;
	(tag) =	ssettag s2;
	_ =	strace s9  }
0x27: {  	s1 =	sld [smem:$0x3FAE]  }
0x28: {  	s2 =	sld [smem:$0x3FAF]  }
0x29: {  	s4 =	sld [smem:$0x3FB1]  }
0x2a: {  	p0 =	seq.s32 s5, $0x0;
	s5 =	sld [smem:$0x3FB2]  }
0x2b: {  	s6 =	sld [smem:$0x3FB3]  }
0x2c: {  	s7 =	sld [smem:$0x3FB4]  }
0x2d: {  	s3 =	simm.s32 $0x108;
	s8 =	sld [smem:$0x3FB5]  }
0x2e: {  	s3 =	simm.s32 @!p0 $0x1082;
	s9 =	sld [smem:$0x3FB6]  }
0x2f: {  	lr =	sadd.s32 s0, s3;
	s0 =	sld [smem:$0x3FAD]  }
0x30: {  	s3 =	sld [smem:$0x3FB0]  }
0x31: {  	[smem:$0x3FB9] =	sst s10  }
0x32: {  	s10 =	sld [smem:$0x3FB7];
	_ =	sdelay $0x3  }
0x33: {  	p0 =	seq.s32 s10, $0x1;
	s10 =	sld [smem:$0x3FB9];
	_ =	sdelay $0x3  }
0x34: {  	[smem:$0x3FB9] =	sst s10  }
0x35: {  	s10 =	sld [smem:$0x3FB8];
	_ =	sdelay $0x3  }
0x36: {  	p1 =	seq.s32 s10, $0x1;
	s10 =	sld [smem:$0x3FB9];
	_ =	sdelay $0x3  }
0x37: {  	[smem:$0x3FB9] =	sst s10  }
0x38: {  	s10 =	sld [smem:$0x3FBA]  }
0x39: {  	_ = 	snop;
	(pc) =	sbr.ind lr, $3  }
0x3a: {  	_ = 	snop  }
0x3b: {  	_ = 	snop  }
0x3c: {  	p2 =	seq.s32 s10, $0x1;
	s10 =	sld [smem:$0x3FB9]  }
0x3d: {  	_ =	shalt  }
0x3e: {  	_ =	shalt  }
0x3f: {  	_ =	shalt  }
0x40: {  	_ =	shalt  }
0x41: {  	_ =	shalt  }
0x42: {  	_ =	shalt  }
0x43: {  	_ =	shalt  }
0x44: {  	_ =	shalt  }
0x45: {  	_ =	shalt  }
0x46: {  	_ =	shalt  }
0x47: {  	_ =	shalt  }
0x48: {  	_ =	shalt  }
0x49: {  	_ =	shalt  }
0x4a: {  	_ =	shalt  }
0x4b: {  	_ =	shalt  }
0x4c: {  	_ =	shalt  }
0x4d: {  	_ =	shalt  }
0x4e: {  	_ =	shalt  }
0x4f: {  	_ =	shalt  }
0x50: {  	_ =	shalt  }
0x51: {  	_ =	shalt  }
0x52: {  	_ =	shalt  }
0x53: {  	_ =	shalt  }
0x54: {  	_ =	shalt  }
0x55: {  	_ =	shalt  }
0x56: {  	_ =	shalt  }
0x57: {  	_ =	shalt  }
0x58: {  	_ =	shalt  }
0x59: {  	_ =	shalt  }
0x5a: {  	_ =	shalt  }
0x5b: {  	_ =	shalt  }
0x5c: {  	_ =	shalt  }
0x5d: {  	_ =	shalt  }
0x5e: {  	_ =	shalt  }
0x5f: {  	_ =	shalt  }
0x60: {  	_ =	shalt  }
0x61: {  	_ =	shalt  }
0x62: {  	_ =	shalt  }
0x63: {  	_ =	shalt  }
0x64: {  	_ =	shalt  }
0x65: {  	_ =	shalt  }
0x66: {  	_ =	shalt  }
0x67: {  	_ =	shalt  }
0x68: {  	_ =	shalt  }
0x69: {  	_ =	shalt  }
0x6a: {  	_ =	shalt  }
0x6b: {  	_ =	shalt  }
0x6c: {  	_ =	shalt  }
0x6d: {  	_ =	shalt  }
0x6e: {  	_ =	shalt  }
0x6f: {  	_ =	shalt  }
0x70: {  	_ =	shalt  }
0x71: {  	_ =	shalt  }
0x72: {  	_ =	shalt  }
0x73: {  	_ =	shalt  }
0x74: {  	_ =	shalt  }
0x75: {  	_ =	shalt  }
0x76: {  	_ =	shalt  }
0x77: {  	_ =	shalt  }
0x78: {  	_ =	shalt  }
0x79: {  	_ =	shalt  }
0x7a: {  	_ =	shalt  }
0x7b: {  	_ =	shalt  }
0x7c: {  	_ =	shalt  }
0x7d: {  	_ =	shalt  }
0x7e: {  	_ =	shalt  }
0x7f: {  	_ =	shalt  }
0x80: {  	_ =	shalt  }
0x81: {  	_ =	shalt  }
0x82: {  	_ =	shalt  }
0x83: {  	_ =	shalt  }
0x84: {  	_ =	shalt  }
0x85: {  	_ =	shalt  }
0x86: {  	_ =	shalt  }
0x87: {  	_ =	shalt  }
.Lfunc_end0:
.L_simem_size_0:
called_computation_lowered:
.L_overlay_start_0:
0x88: {  	s2 =	sld [smem:$0x3FD9]  }
0x89: {  	s3 =	sld [smem:$0x3FFE];
	_ =	sdelay $0x1  }
0x8a: {  	s1 =	srdreg.scid  }
0x8b: {  	s0 =	sand.u32 $0x1, s1  }
0x8c: {  	s18 =	sshll.u32 s0, $0xA;
	s2 =	sadd.s32 s3, s2  }
0x8d: {  	s2 =	sadd.s32 s2, s18  }
0x8e: {  	[smem:$0x3FC5] =	sst s2  }
0x8f: {  	_ = 	snop  }
0x90: {  	s2 =	sld [smem:$0x3FC9]  }
0x91: {  	s19 =	sld [smem:$0x3FC8]  }
0x92: {  	s4 =	sld [smem:$0x3FC7]  }
0x93: {  	s5 =	sld [smem:$0x3FD0];
	(tm) =	ssettm $0x1  }
0x94: {  	s6 =	sld [smem:$0x3FFB];
	_ =	sdelay $0x3  }
0x95: {  	_ =	strace s6  }
0x96: {  	s6 =	sld [smem:$0x3FFC];
	_ =	sdelay $0x3  }
0x97: {  	_ =	strace s6  }
0x98: {  	s6 =	sld [smem:$0x3FFD];
	_ =	sdelay $0x3  }
0x99: {  	_ =	strace s6  }
0x9a: {  	_ =	strace $0x8FFFFFFF  }
0x9b: {  	s20 =	sld [smem:$0x3FDB];
	_ =	sdelay $0x1  }
0x9c: {  	s7 =	simm.s32 $_scs_section_size  }
0x9d: {  	s8 =	simm.s32 $_size__tile_overlayer_lowered;
	s9 =	simm.s32 $_tile_overlayer_lowered  }
0x9e: {  	s23 =	simm.s32 $0x1BFF;
	s22 =	sshll.u32 s9, $0x1;
	s6 =	sadd.s32 s7, s20  }
0x9f: {  	s10 =	simm.s32 $0x0;
	s21 =	sshll.u32 s8, $0x1;
	s8 =	sadd.s32 s22, s6  }
0xa0: {  	[timem:s10], [sflag:s23] =	dma.local [hbm:s8], s21  }
0xa1: {  	_ =	swait.ge [sflag:s23], s21  }
0xa2: {  	s7 =	ssub.s32 $0x0, s21;
	[sflag:s23] =	ssyncset.done $0x0  }
0xa3: {  	[sflag:s23] =	ssyncadd.s32 s7;
	_ =	sdelay $0x1  }
0xa4: {  	s24 =	simm.s32 $0x1B8B  }
0xa5: {  	_ =	swait.ge [sflag:s24], $0x1  }
0xa6: {  	[sflag:s24] =	ssyncset.done $0x0  }
0xa7: {  	s25 =	simm.s32 $0x1B8E;
	[sflag:s24] =	ssyncadd.s32 $0xFFFFFFFF  }
0xa8: {  	s26 =	simm.s32 $execute0_lowered;
	[smem:$0x3FD2] =	sst s25  }
0xa9: {  	s7 =	sshll.u32 s26, $0x1;
	_ =	strace $0x80000046;
	[dreg:$0x1] =	wrdreg $0xFFFFFFFF  }
0xaa: {  	s28 =	simm.s32 $_size_execute0_lowered;
	s6 =	sadd.s32 s6, s7;
	[dreg:$0x0] =	wrdreg $0x0  }
0xab: {  	s7 =	sshll.u32 s28, $0x1;
	[dreg:$0x2] =	wrdreg s6  }
0xac: {  	[dreg:$0x3] =	wrdreg s7  }
0xad: {  	[dreg:$0x4] =	wrdreg $0xC0  }
0xae: {  	_ =	task [dreg:s10], $0x5FFFF  }
0xaf: {  	[dreg:$0x1] =	wrdreg $0xFFFFFFFF  }
0xb0: {  	[dreg:$0x0] =	wrdreg $0x60  }
0xb1: {  	[dreg:$0x2] =	wrdreg s2  }
0xb2: {  	[dreg:$0x3] =	wrdreg s19  }
0xb3: {  	[dreg:$0x4] =	wrdreg s4  }
0xb4: {  	[dreg:$0x5] =	wrdreg s5  }
0xb5: {  	[dreg:$0x6] =	wrdreg $0x9  }
0xb6: {  	_ =	task.clear_ibuf [dreg:s10], $0x7FFFF;
	_ =	strace $0x90000046  }
0xb7: {  	s29 =	simm.s32 $0x9;
	_ =	strace $0x80000048  }
0xb8: {  	_ =	swait.ge [sflag:s29], $0x1  }
0xb9: {  	[sflag:s29] =	ssyncadd.s32 $0xFFFFFFFF  }
0xba: {  	_ =	strace $0x90000048  }
0xbb: {  	_ =	sfence  }
0xbc: {  	s30 =	sld [smem:$0x0];
	_ =	sdelay $0x2  }
0xbd: {  	s31 =	sshll.u32 s1, $0xD;
	s1 =	sshrl.u32 s1, $0x2  }
0xbe: {  	s3 =	sand.u32 $0x4000, s31;
	s1 =	sadd.s32 s1, s30  }
0xbf: {  	s0 =	sor.u32 s3, s0;
	s1 =	sshll.u32 s1, $0x11  }
0xc0: {  	s0 =	sor.u32 s1, s0  }
0xc1: {  	s0 =	sadd.s32 $0x8F2B, s0  }
0xc2: {  	[sflag:s0] =	ssyncadd.remote.s32 $0x1  }
0xc3: {  	_ =	sfence.sel $0xFFFF  }
0xc4: {  	[dreg:$0x0] =	wrdreg $0xFFFFFFFF;
	(pc) =	sbr.abs _section_cstart, $3  }
0xc5: {  	[dreg:$0x1] =	wrdreg $0xFFFFFFFF  }
0xc6: {  	_ =	task.clear_ibuf [dreg:s10], $0x2FFFF;
	_ =	strace $0x9FFFFFFF  }
0xc7: {  	(tm) =	ssettm $0x7FFFFFFF  }
tec
execute0_lowered:
.L_overlay_start_1:
0x0: {  	(tag) =	ssettag $0x1  }
0x1: {  	s0 =	rddreg [dreg:$0x1]  }
0x2: {  	s3 =	rddreg [dreg:$0x2]  }
0x3: {  	s1 =	rddreg [dreg:$0x3]  }
0x4: {  	s2 =	srdreg.scid;
	s5 =	stileid.u32  }
0x5: {  	s4 =	simm.s32 $0x0;
	s8 =	simm.s32 $0x2;
	s9 =	simm.s32 $0x4000  }
0x6: {  	s10 =	simm.s32 $0x80;
	s12 =	simm.s32 $0x8800;
	s31 =	simm.s32 $0x8C80  }
0x7: {  	s13 =	simm.s32 $0x8600;
	s14 =	simm.s32 $0x8E00;
	s15 =	simm.s32 $0x8680  }
0x8: {  	s16 =	simm.s32 $0x8E80;
	s17 =	simm.s32 $0x8700;
	s18 =	simm.s32 $0x8F00  }
0x9: {  	v0 =	vlaneseq.u32;
	s19 =	simm.s32 $0x8780;
	s20 =	simm.s32 $0x8F80;
	s21 =	simm.s32 $0x1  }
0xa: {  	s22 =	simm.s32 $0x0;
	s2 =	sand.u32 $0x1, s2;
	s5 =	sshll.u32 s5, $0x1;
	v2 =	vmul.u32 $0x100, v0;
	v0 =	vmul.u32 $0x8, v0  }
0xb: {  	[smem:$0x7FF] =	sst s4;
	s6 =	ssub.s32 $0x2, s2;
	s2 =	sor.u32 s2, s5  }
0xc: {  	_ =	strace $0x80000047;
	s29 =	sshrl.u32 s6, $0x1;
	s11 =	sshll.u32 s2, $0xB;
	v3 =	vor.u32 $0x2, v0  }
0xd: {  	s30 =	sshll.u32 s2, $0x8;
	s2 =	simm.s32 $0x8D00;
	v4 =	vor.u32 $0x3, v0;
	v5 =	vor.u32 $0x4, v0;
	s7 =	ssub.s32 s6, s29;
	v1 =	vmov s11  }
0xe: {  	v6 =	vor.u32 $0x5, v0;
	v7 =	vor.u32 $0x6, v0;
	s5 =	sadd.s32 s0, s11;
	s6 =	sadd.s32 s1, s30;
	s0 =	simm.s32 $0x8500;
	v1 =	vshll.u32 v1, $0x8  }
0xf: {  	v8 =	vor.u32 $0x7, v0;
	s1 =	simm.s32 $0x8580;
	s11 =	simm.s32 $0x8D80;
	s7 =	smax.u32 s7, $0x1;
	v1 =	vor.u32 v2, v1;
	v2 =	vor.u32 $0x1, v0  }
.LBB2_1:
0x10: {  	s23 =	rddreg [dreg:$0x0]  }
0x11: {  	[tilespmem:s4], [sflag:$0x2] =	stream.linear.gather [hbm4b:s23+s4], $0x4000, $0x38;
	[tilespmem:$0x9000] =	vst v63  }
0x12: {  	_ =	swait.ge [sflag:s8], $0x4000  }
0x13: {  	[sflag:s8] =	ssyncset.done $0x0  }
0x14: {  	v9 =	vor.u32 s4, v2;
	[sflag:s8] =	ssyncadd.s32 $0xFFFFC000  }
0x15: {  	v10 =	vor.u32 s4, v0;
	[tilespmem:s9], [sflag:$0x2] =	stream.linear.gather [hbm4b:s5+s4], $0x4000, $0x38;
	[tilespmem:$0x9000] =	vst v63  }
0x16: {  	v11 =	vor.u32 s4, v3;
	_ =	swait.ge [sflag:s8], $0x4000  }
0x17: {  	v12 =	vor.u32 s4, v4;
	[sflag:s8] =	ssyncset.done $0x0  }
0x18: {  	v13 =	vor.u32 s4, v5;
	[sflag:s8] =	ssyncadd.s32 $0xFFFFC000  }
0x19: {  	v14 =	vor.u32 s4, v6;
	v9 =	vld.idx.msk [tilespmem:v9+s9+$0x0], $0xffff  }
0x1a: {  	v15 =	vor.u32 s4, v7;
	v10 =	vld.idx.msk [tilespmem:v10+s9+$0x0], $0xffff  }
0x1b: {  	v16 =	vor.u32 s4, v8;
	v11 =	vld.idx.msk [tilespmem:v11+s9+$0x0], $0xffff  }
0x1c: {  	v12 =	vld.idx.msk [tilespmem:v12+s9+$0x0], $0xffff  }
0x1d: {  	v13 =	vld.idx.msk [tilespmem:v13+s9+$0x0], $0xffff  }
0x1e: {  	v14 =	vld.idx.msk [tilespmem:v14+s9+$0x0], $0xffff  }
0x1f: {  	v15 =	vld.idx.msk [tilespmem:v15+s9+$0x0], $0xffff  }
0x20: {  	v16 =	vld.idx.msk [tilespmem:v16+s9+$0x0], $0xffff  }
0x21: {  	v9 =	vld.idx.msk [tilespmem:v9+s4+$0x0], $0xffff  }
0x22: {  	v10 =	vld.idx.msk [tilespmem:v10+s4+$0x0], $0xffff  }
0x23: {  	v11 =	vld.idx.msk [tilespmem:v11+s4+$0x0], $0xffff  }
0x24: {  	v12 =	vld.idx.msk [tilespmem:v12+s4+$0x0], $0xffff  }
0x25: {  	s26 =	simm.s32 $0x0;
	v13 =	vld.idx.msk [tilespmem:v13+s4+$0x0], $0xffff  }
0x26: {  	v17 =	vadd.s32 s26, v1;
	v14 =	vld.idx.msk [tilespmem:v14+s4+$0x0], $0xffff  }
0x27: {  	v15 =	vld.idx.msk [tilespmem:v15+s4+$0x0], $0xffff;
	v9 =	vshll.u32 v9, $0x1;
	v10 =	vadd.s32 v10, v17  }
0x28: {  	v16 =	vld.idx.msk [tilespmem:v16+s4+$0x0], $0xffff;
	v11 =	vshll.u32 v11, $0x2;
	v9 =	vadd.s32 v9, v10  }
0x29: {  	v10 =	vshll.u32 v12, $0x3;
	v9 =	vadd.s32 v11, v9  }
0x2a: {  	s24 =	simm.s32 $0x80;
	v11 =	vshll.u32 v13, $0x4;
	v9 =	vadd.s32 v10, v9  }
0x2b: {  	v10 =	vshll.u32 v14, $0x5;
	v9 =	vadd.s32 v11, v9;
	v11 =	vor.u32 s24, v0  }
0x2c: {  	v12 =	vshll.u32 v15, $0x6;
	v9 =	vadd.s32 v10, v9;
	v10 =	vor.u32 s24, v2  }
0x2d: {  	v13 =	vshll.u32 v16, $0x7;
	v9 =	vadd.s32 v12, v9;
	v12 =	vor.u32 s24, v3  }
0x2e: {  	s23 =	simm.s32 $0x8020;
	v9 =	vadd.s32 v13, v9;
	v13 =	vor.u32 s24, v4  }
0x2f: {  	[tilespmem:s23+$0xFFFFFFE0] =	vst v9;
	v9 =	vor.u32 s24, v5  }
0x30: {  	v14 =	vor.u32 s24, v6;
	v11 =	vld.idx.msk [tilespmem:v11+s9+$0x0], $0xffff  }
0x31: {  	v15 =	vor.u32 s24, v7;
	v10 =	vld.idx.msk [tilespmem:v10+s9+$0x0], $0xffff  }
0x32: {  	v16 =	vor.u32 s24, v8;
	v12 =	vld.idx.msk [tilespmem:v12+s9+$0x0], $0xffff  }
0x33: {  	v13 =	vld.idx.msk [tilespmem:v13+s9+$0x0], $0xffff  }
0x34: {  	v9 =	vld.idx.msk [tilespmem:v9+s9+$0x0], $0xffff  }
0x35: {  	v14 =	vld.idx.msk [tilespmem:v14+s9+$0x0], $0xffff  }
0x36: {  	v15 =	vld.idx.msk [tilespmem:v15+s9+$0x0], $0xffff  }
0x37: {  	v16 =	vld.idx.msk [tilespmem:v16+s9+$0x0], $0xffff  }
0x38: {  	v11 =	vld.idx.msk [tilespmem:v11+s4+$0x0], $0xffff  }
0x39: {  	v10 =	vld.idx.msk [tilespmem:v10+s4+$0x0], $0xffff  }
0x3a: {  	v12 =	vld.idx.msk [tilespmem:v12+s4+$0x0], $0xffff  }
0x3b: {  	v13 =	vld.idx.msk [tilespmem:v13+s4+$0x0], $0xffff  }
0x3c: {  	s30 =	simm.s32 $0x1000;
	v9 =	vld.idx.msk [tilespmem:v9+s4+$0x0], $0xffff  }
0x3d: {  	v17 =	vadd.s32 s30, v1;
	v14 =	vld.idx.msk [tilespmem:v14+s4+$0x0], $0xffff  }
0x3e: {  	v15 =	vld.idx.msk [tilespmem:v15+s4+$0x0], $0xffff;
	v11 =	vadd.s32 v11, v17;
	v10 =	vshll.u32 v10, $0x1  }
0x3f: {  	v16 =	vld.idx.msk [tilespmem:v16+s4+$0x0], $0xffff;
	v12 =	vshll.u32 v12, $0x2;
	v10 =	vadd.s32 v10, v11  }
0x40: {  	v11 =	vshll.u32 v13, $0x3;
	v10 =	vadd.s32 v12, v10  }
0x41: {  	s25 =	simm.s32 $0x100;
	v9 =	vshll.u32 v9, $0x4;
	v10 =	vadd.s32 v11, v10  }
0x42: {  	v11 =	vshll.u32 v14, $0x5;
	v9 =	vadd.s32 v9, v10;
	v10 =	vor.u32 s25, v0  }
0x43: {  	v12 =	vshll.u32 v15, $0x6;
	v9 =	vadd.s32 v11, v9;
	v11 =	vor.u32 s25, v2  }
0x44: {  	v13 =	vshll.u32 v16, $0x7;
	v9 =	vadd.s32 v12, v9;
	v12 =	vor.u32 s25, v3  }
0x45: {  	v9 =	vadd.s32 v13, v9;
	v13 =	vor.u32 s25, v4  }
0x46: {  	[tilespmem:s23+$0xFFFFFFF0] =	vst v9;
	v9 =	vor.u32 s25, v5  }
0x47: {  	v14 =	vor.u32 s25, v6;
	v10 =	vld.idx.msk [tilespmem:v10+s9+$0x0], $0xffff  }
0x48: {  	v15 =	vor.u32 s25, v7;
	v11 =	vld.idx.msk [tilespmem:v11+s9+$0x0], $0xffff  }
0x49: {  	v16 =	vor.u32 s25, v8;
	v12 =	vld.idx.msk [tilespmem:v12+s9+$0x0], $0xffff  }
0x4a: {  	v13 =	vld.idx.msk [tilespmem:v13+s9+$0x0], $0xffff  }
0x4b: {  	v9 =	vld.idx.msk [tilespmem:v9+s9+$0x0], $0xffff  }
0x4c: {  	v14 =	vld.idx.msk [tilespmem:v14+s9+$0x0], $0xffff  }
0x4d: {  	v15 =	vld.idx.msk [tilespmem:v15+s9+$0x0], $0xffff  }
0x4e: {  	v16 =	vld.idx.msk [tilespmem:v16+s9+$0x0], $0xffff  }
0x4f: {  	v10 =	vld.idx.msk [tilespmem:v10+s4+$0x0], $0xffff  }
0x50: {  	v11 =	vld.idx.msk [tilespmem:v11+s4+$0x0], $0xffff  }
0x51: {  	v12 =	vld.idx.msk [tilespmem:v12+s4+$0x0], $0xffff  }
0x52: {  	v13 =	vld.idx.msk [tilespmem:v13+s4+$0x0], $0xffff  }
0x53: {  	s26 =	simm.s32 $0x2000;
	v9 =	vld.idx.msk [tilespmem:v9+s4+$0x0], $0xffff  }
0x54: {  	v17 =	vadd.s32 s26, v1;
	v14 =	vld.idx.msk [tilespmem:v14+s4+$0x0], $0xffff  }
0x55: {  	v15 =	vld.idx.msk [tilespmem:v15+s4+$0x0], $0xffff;
	v10 =	vadd.s32 v10, v17;
	v11 =	vshll.u32 v11, $0x1  }
0x56: {  	v16 =	vld.idx.msk [tilespmem:v16+s4+$0x0], $0xffff;
	v12 =	vshll.u32 v12, $0x2;
	v10 =	vadd.s32 v11, v10  }
0x57: {  	v11 =	vshll.u32 v13, $0x3;
	v10 =	vadd.s32 v12, v10  }
0x58: {  	s30 =	simm.s32 $0x180;
	v9 =	vshll.u32 v9, $0x4;
	v10 =	vadd.s32 v11, v10  }
0x59: {  	v11 =	vshll.u32 v14, $0x5;
	v9 =	vadd.s32 v9, v10;
	v10 =	vor.u32 s30, v0  }
0x5a: {  	v12 =	vshll.u32 v15, $0x6;
	v9 =	vadd.s32 v11, v9;
	v11 =	vor.u32 s30, v2  }
0x5b: {  	v13 =	vshll.u32 v16, $0x7;
	v9 =	vadd.s32 v12, v9;
	v12 =	vor.u32 s30, v3  }
0x5c: {  	v9 =	vadd.s32 v13, v9;
	v13 =	vor.u32 s30, v4  }
0x5d: {  	[tilespmem:s23+$0x0] =	vst v9;
	v9 =	vor.u32 s30, v5  }
0x5e: {  	v14 =	vld.idx.msk [tilespmem:v10+s9+$0x0], $0xffff;
	v10 =	vor.u32 s30, v6  }
0x5f: {  	v15 =	vld.idx.msk [tilespmem:v11+s9+$0x0], $0xffff;
	v11 =	vor.u32 s30, v7  }
0x60: {  	v17 =	vor.u32 s30, v8;
	v18 =	vld.idx.msk [tilespmem:v12+s9+$0x0], $0xffff  }
0x61: {  	v19 =	vld.idx.msk [tilespmem:v13+s9+$0x0], $0xffff  }
0x62: {  	v20 =	vld.idx.msk [tilespmem:v9+s9+$0x0], $0xffff  }
0x63: {  	v16 =	vld.idx.msk [tilespmem:v10+s9+$0x0], $0xffff  }
0x64: {  	v12 =	vld.idx.msk [tilespmem:v11+s9+$0x0], $0xffff  }
0x65: {  	v10 =	vld.idx.msk [tilespmem:v17+s9+$0x0], $0xffff  }
0x66: {  	v11 =	vld.idx.msk [tilespmem:v14+s4+$0x0], $0xffff  }
0x67: {  	v17 =	vld.idx.msk [tilespmem:v15+s4+$0x0], $0xffff  }
0x68: {  	v13 =	vld.idx.msk [tilespmem:v18+s4+$0x0], $0xffff  }
0x69: {  	s28 =	simm.s32 $0x4;
	s24 =	simm.s32 $0x200;
	v14 =	vld.idx.msk [tilespmem:v19+s4+$0x0], $0xffff  }
0x6a: {  	s29 =	simm.s32 $0x3000;
	s26 =	simm.s32 $0x8020;
	s25 =	simm.s32 $0x3000;
	v9 =	vor.u32 s24, v0;
	v15 =	vld.idx.msk [tilespmem:v20+s4+$0x0], $0xffff  }
.LBB2_2:
0x6b: {  	s28 =	sadd.s32 $0x4, s28;
	v18 =	vor.u32 s24, v2;
	v16 =	vld.idx.msk [tilespmem:v16+s4+$0x0], $0xffff;
	s25 =	sadd.s32 $0x4000, s25;
	s23 =	sadd.s32 $0x40, s23  }
0x6c: {  	v19 =	vadd.s32 s29, v1;
	p0 =	slt.u32 s28, $0x7C;
	v12 =	vld.idx.msk [tilespmem:v12+s4+$0x0], $0xffff;
	s29 =	smov.u32 s25  }
0x6d: {  	v17 =	vshll.u32 v17, $0x1;
	v11 =	vadd.s32 v11, v19;
	v10 =	vld.idx.msk [tilespmem:v10+s4+$0x0], $0xffff  }
0x6e: {  	v13 =	vshll.u32 v13, $0x2;
	v11 =	vadd.s32 v17, v11  }
0x6f: {  	v14 =	vshll.u32 v14, $0x3;
	v11 =	vadd.s32 v13, v11  }
0x70: {  	v13 =	vshll.u32 v15, $0x4;
	v11 =	vadd.s32 v14, v11  }
0x71: {  	v14 =	vshll.u32 v16, $0x5;
	v11 =	vadd.s32 v13, v11  }
0x72: {  	v12 =	vshll.u32 v12, $0x6;
	v11 =	vadd.s32 v14, v11  }
0x73: {  	v13 =	vor.u32 s24, v3;
	v10 =	vshll.u32 v10, $0x7;
	v11 =	vadd.s32 v12, v11  }
0x74: {  	v12 =	vor.u32 s24, v4;
	v10 =	vadd.s32 v10, v11  }
0x75: {  	v11 =	vor.u32 s24, v5;
	[tilespmem:s26+$0x10] =	vst v10;
	s26 =	smov.u32 s23  }
0x76: {  	v14 =	vor.u32 s24, v6;
	v10 =	vld.idx.msk [tilespmem:v18+s9+$0x0], $0xffff  }
0x77: {  	v15 =	vor.u32 s24, v7;
	v9 =	vld.idx.msk [tilespmem:v9+s9+$0x0], $0xffff  }
0x78: {  	v16 =	vor.u32 s24, v8;
	v13 =	vld.idx.msk [tilespmem:v13+s9+$0x0], $0xffff  }
0x79: {  	v12 =	vld.idx.msk [tilespmem:v12+s9+$0x0], $0xffff  }
0x7a: {  	v11 =	vld.idx.msk [tilespmem:v11+s9+$0x0], $0xffff  }
0x7b: {  	v14 =	vld.idx.msk [tilespmem:v14+s9+$0x0], $0xffff  }
0x7c: {  	v15 =	vld.idx.msk [tilespmem:v15+s9+$0x0], $0xffff  }
0x7d: {  	v16 =	vld.idx.msk [tilespmem:v16+s9+$0x0], $0xffff  }
0x7e: {  	v10 =	vld.idx.msk [tilespmem:v10+s4+$0x0], $0xffff  }
0x7f: {  	v9 =	vld.idx.msk [tilespmem:v9+s4+$0x0], $0xffff  }
0x80: {  	v13 =	vld.idx.msk [tilespmem:v13+s4+$0x0], $0xffff  }
0x81: {  	v12 =	vld.idx.msk [tilespmem:v12+s4+$0x0], $0xffff  }
0x82: {  	v11 =	vld.idx.msk [tilespmem:v11+s4+$0x0], $0xffff  }
0x83: {  	s30 =	sadd.s32 $0xFFFFD000, s25;
	v14 =	vld.idx.msk [tilespmem:v14+s4+$0x0], $0xffff  }
0x84: {  	v17 =	vadd.s32 s30, v1;
	v15 =	vld.idx.msk [tilespmem:v15+s4+$0x0], $0xffff  }
0x85: {  	v10 =	vshll.u32 v10, $0x1;
	v9 =	vadd.s32 v9, v17;
	v16 =	vld.idx.msk [tilespmem:v16+s4+$0x0], $0xffff  }
0x86: {  	v13 =	vshll.u32 v13, $0x2;
	v9 =	vadd.s32 v10, v9  }
0x87: {  	v10 =	vshll.u32 v12, $0x3;
	v9 =	vadd.s32 v13, v9  }
0x88: {  	s30 =	sadd.s32 $0x80, s24;
	v11 =	vshll.u32 v11, $0x4;
	v9 =	vadd.s32 v10, v9  }
0x89: {  	v10 =	vshll.u32 v14, $0x5;
	v9 =	vadd.s32 v11, v9;
	v11 =	vor.u32 s30, v0  }
0x8a: {  	v12 =	vshll.u32 v15, $0x6;
	v9 =	vadd.s32 v10, v9;
	v10 =	vor.u32 s30, v2  }
0x8b: {  	v13 =	vshll.u32 v16, $0x7;
	v9 =	vadd.s32 v12, v9;
	v12 =	vor.u32 s30, v3  }
0x8c: {  	v9 =	vadd.s32 v13, v9;
	v13 =	vor.u32 s30, v4  }
0x8d: {  	[tilespmem:s23+$0xFFFFFFE0] =	vst v9;
	v9 =	vor.u32 s30, v5  }
0x8e: {  	v14 =	vor.u32 s30, v6;
	v11 =	vld.idx.msk [tilespmem:v11+s9+$0x0], $0xffff  }
0x8f: {  	v15 =	vor.u32 s30, v7;
	v10 =	vld.idx.msk [tilespmem:v10+s9+$0x0], $0xffff  }
0x90: {  	v16 =	vor.u32 s30, v8;
	v12 =	vld.idx.msk [tilespmem:v12+s9+$0x0], $0xffff  }
0x91: {  	v13 =	vld.idx.msk [tilespmem:v13+s9+$0x0], $0xffff  }
0x92: {  	v9 =	vld.idx.msk [tilespmem:v9+s9+$0x0], $0xffff  }
0x93: {  	v14 =	vld.idx.msk [tilespmem:v14+s9+$0x0], $0xffff  }
0x94: {  	v15 =	vld.idx.msk [tilespmem:v15+s9+$0x0], $0xffff  }
0x95: {  	v16 =	vld.idx.msk [tilespmem:v16+s9+$0x0], $0xffff  }
0x96: {  	v11 =	vld.idx.msk [tilespmem:v11+s4+$0x0], $0xffff  }
0x97: {  	v10 =	vld.idx.msk [tilespmem:v10+s4+$0x0], $0xffff  }
0x98: {  	v12 =	vld.idx.msk [tilespmem:v12+s4+$0x0], $0xffff  }
0x99: {  	v13 =	vld.idx.msk [tilespmem:v13+s4+$0x0], $0xffff  }
0x9a: {  	s30 =	sadd.s32 $0xFFFFE000, s25;
	v9 =	vld.idx.msk [tilespmem:v9+s4+$0x0], $0xffff  }
0x9b: {  	v17 =	vadd.s32 s30, v1;
	v14 =	vld.idx.msk [tilespmem:v14+s4+$0x0], $0xffff  }
0x9c: {  	v11 =	vadd.s32 v11, v17;
	v15 =	vld.idx.msk [tilespmem:v15+s4+$0x0], $0xffff  }
0x9d: {  	v10 =	vshll.u32 v10, $0x1;
	v16 =	vld.idx.msk [tilespmem:v16+s4+$0x0], $0xffff  }
0x9e: {  	v12 =	vshll.u32 v12, $0x2;
	v10 =	vadd.s32 v10, v11  }
0x9f: {  	v11 =	vshll.u32 v13, $0x3;
	v10 =	vadd.s32 v12, v10  }
0xa0: {  	s30 =	sadd.s32 $0x100, s24;
	v9 =	vshll.u32 v9, $0x4;
	v10 =	vadd.s32 v11, v10  }
0xa1: {  	v11 =	vshll.u32 v14, $0x5;
	v9 =	vadd.s32 v9, v10;
	v10 =	vor.u32 s30, v0  }
0xa2: {  	v12 =	vshll.u32 v15, $0x6;
	v9 =	vadd.s32 v11, v9;
	v11 =	vor.u32 s30, v2  }
0xa3: {  	v13 =	vshll.u32 v16, $0x7;
	v9 =	vadd.s32 v12, v9;
	v12 =	vor.u32 s30, v3  }
0xa4: {  	v9 =	vadd.s32 v13, v9;
	v13 =	vor.u32 s30, v4  }
0xa5: {  	[tilespmem:s23+$0xFFFFFFF0] =	vst v9;
	v9 =	vor.u32 s30, v5  }
0xa6: {  	v14 =	vor.u32 s30, v6;
	v10 =	vld.idx.msk [tilespmem:v10+s9+$0x0], $0xffff  }
0xa7: {  	v15 =	vor.u32 s30, v7;
	v11 =	vld.idx.msk [tilespmem:v11+s9+$0x0], $0xffff  }
0xa8: {  	v16 =	vor.u32 s30, v8;
	v12 =	vld.idx.msk [tilespmem:v12+s9+$0x0], $0xffff  }
0xa9: {  	v13 =	vld.idx.msk [tilespmem:v13+s9+$0x0], $0xffff  }
0xaa: {  	v9 =	vld.idx.msk [tilespmem:v9+s9+$0x0], $0xffff  }
0xab: {  	v14 =	vld.idx.msk [tilespmem:v14+s9+$0x0], $0xffff  }
0xac: {  	v15 =	vld.idx.msk [tilespmem:v15+s9+$0x0], $0xffff  }
0xad: {  	v16 =	vld.idx.msk [tilespmem:v16+s9+$0x0], $0xffff  }
0xae: {  	v10 =	vld.idx.msk [tilespmem:v10+s4+$0x0], $0xffff  }
0xaf: {  	v11 =	vld.idx.msk [tilespmem:v11+s4+$0x0], $0xffff  }
0xb0: {  	v12 =	vld.idx.msk [tilespmem:v12+s4+$0x0], $0xffff  }
0xb1: {  	v13 =	vld.idx.msk [tilespmem:v13+s4+$0x0], $0xffff  }
0xb2: {  	s30 =	sadd.s32 $0xFFFFF000, s25;
	v9 =	vld.idx.msk [tilespmem:v9+s4+$0x0], $0xffff  }
0xb3: {  	v17 =	vadd.s32 s30, v1;
	v14 =	vld.idx.msk [tilespmem:v14+s4+$0x0], $0xffff  }
0xb4: {  	v10 =	vadd.s32 v10, v17;
	v15 =	vld.idx.msk [tilespmem:v15+s4+$0x0], $0xffff  }
0xb5: {  	v11 =	vshll.u32 v11, $0x1;
	v16 =	vld.idx.msk [tilespmem:v16+s4+$0x0], $0xffff  }
0xb6: {  	v12 =	vshll.u32 v12, $0x2;
	v10 =	vadd.s32 v11, v10  }
0xb7: {  	v11 =	vshll.u32 v13, $0x3;
	v10 =	vadd.s32 v12, v10  }
0xb8: {  	s30 =	sadd.s32 $0x180, s24;
	v9 =	vshll.u32 v9, $0x4;
	v10 =	vadd.s32 v11, v10  }
0xb9: {  	v11 =	vshll.u32 v14, $0x5;
	v9 =	vadd.s32 v9, v10;
	v10 =	vor.u32 s30, v0  }
0xba: {  	v12 =	vshll.u32 v15, $0x6;
	v9 =	vadd.s32 v11, v9;
	v11 =	vor.u32 s30, v2  }
0xbb: {  	v13 =	vshll.u32 v16, $0x7;
	v9 =	vadd.s32 v12, v9;
	v12 =	vor.u32 s30, v3  }
0xbc: {  	v9 =	vadd.s32 v13, v9;
	v13 =	vor.u32 s30, v4  }
0xbd: {  	[tilespmem:s23+$0x0] =	vst v9;
	v9 =	vor.u32 s30, v5  }
0xbe: {  	v14 =	vld.idx.msk [tilespmem:v10+s9+$0x0], $0xffff;
	v10 =	vor.u32 s30, v6  }
0xbf: {  	v15 =	vld.idx.msk [tilespmem:v11+s9+$0x0], $0xffff;
	v11 =	vor.u32 s30, v7  }
0xc0: {  	v17 =	vor.u32 s30, v8;
	v18 =	vld.idx.msk [tilespmem:v12+s9+$0x0], $0xffff  }
0xc1: {  	v19 =	vld.idx.msk [tilespmem:v13+s9+$0x0], $0xffff  }
0xc2: {  	v20 =	vld.idx.msk [tilespmem:v9+s9+$0x0], $0xffff  }
0xc3: {  	v16 =	vld.idx.msk [tilespmem:v10+s9+$0x0], $0xffff  }
0xc4: {  	v12 =	vld.idx.msk [tilespmem:v11+s9+$0x0], $0xffff  }
0xc5: {  	v10 =	vld.idx.msk [tilespmem:v17+s9+$0x0], $0xffff  }
.Ltmp0:
0xc6: {  	s24 =	sadd.s32 $0x200, s24;
	v11 =	vld.idx.msk [tilespmem:v14+s4+$0x0], $0xffff;
	(pc) =	sbr.rel @p0 .LBB2_2-.Ltmp0, $4  }
0xc7: {  	v9 =	vor.u32 s24, v0;
	v17 =	vld.idx.msk [tilespmem:v15+s4+$0x0], $0xffff  }
0xc8: {  	v13 =	vld.idx.msk [tilespmem:v18+s4+$0x0], $0xffff  }
0xc9: {  	v14 =	vld.idx.msk [tilespmem:v19+s4+$0x0], $0xffff  }
0xca: {  	v15 =	vld.idx.msk [tilespmem:v20+s4+$0x0], $0xffff  }
0xcb: {  	_ =	sdelay $0x3  }
0xcc: {  	v18 =	vadd.s32 s29, v1;
	v16 =	vld.idx.msk [tilespmem:v16+s4+$0x0], $0xffff  }
0xcd: {  	v12 =	vld.idx.msk [tilespmem:v12+s4+$0x0], $0xffff;
	v17 =	vshll.u32 v17, $0x1;
	v11 =	vadd.s32 v11, v18  }
0xce: {  	v10 =	vld.idx.msk [tilespmem:v10+s4+$0x0], $0xffff;
	v13 =	vshll.u32 v13, $0x2;
	v11 =	vadd.s32 v17, v11  }
0xcf: {  	v14 =	vshll.u32 v14, $0x3;
	v11 =	vadd.s32 v13, v11  }
0xd0: {  	v31 =	vshll.u32 v15, $0x4;
	v11 =	vadd.s32 v14, v11  }
0xd1: {  	v32 =	vor.u32 s24, v2;
	v33 =	vshll.u32 v16, $0x5;
	v11 =	vadd.s32 v31, v11  }
0xd2: {  	v12 =	vshll.u32 v12, $0x6;
	v11 =	vadd.s32 v33, v11  }
0xd3: {  	v34 =	vor.u32 s24, v3;
	v10 =	vshll.u32 v10, $0x7;
	v11 =	vadd.s32 v12, v11  }
0xd4: {  	v35 =	vor.u32 s24, v4;
	v10 =	vadd.s32 v10, v11  }
0xd5: {  	v11 =	vor.u32 s24, v5;
	[tilespmem:s26+$0x10] =	vst v10  }
0xd6: {  	v36 =	vor.u32 s24, v6;
	v10 =	vld.idx.msk [tilespmem:v32+s9+$0x0], $0xffff  }
0xd7: {  	v37 =	vor.u32 s24, v7;
	v9 =	vld.idx.msk [tilespmem:v9+s9+$0x0], $0xffff  }
0xd8: {  	v38 =	vor.u32 s24, v8;
	v13 =	vld.idx.msk [tilespmem:v34+s9+$0x0], $0xffff  }
0xd9: {  	v12 =	vld.idx.msk [tilespmem:v35+s9+$0x0], $0xffff  }
0xda: {  	v11 =	vld.idx.msk [tilespmem:v11+s9+$0x0], $0xffff  }
0xdb: {  	v14 =	vld.idx.msk [tilespmem:v36+s9+$0x0], $0xffff  }
0xdc: {  	v15 =	vld.idx.msk [tilespmem:v37+s9+$0x0], $0xffff  }
0xdd: {  	v16 =	vld.idx.msk [tilespmem:v38+s9+$0x0], $0xffff  }
0xde: {  	v10 =	vld.idx.msk [tilespmem:v10+s4+$0x0], $0xffff  }
0xdf: {  	v9 =	vld.idx.msk [tilespmem:v9+s4+$0x0], $0xffff  }
0xe0: {  	v13 =	vld.idx.msk [tilespmem:v13+s4+$0x0], $0xffff  }
0xe1: {  	s25 =	sadd.s32 $0x4000, s25;
	v12 =	vld.idx.msk [tilespmem:v12+s4+$0x0], $0xffff  }
0xe2: {  	s30 =	sadd.s32 $0xFFFFD000, s25;
	v11 =	vld.idx.msk [tilespmem:v11+s4+$0x0], $0xffff  }
0xe3: {  	v39 =	vadd.s32 s30, v1;
	v14 =	vld.idx.msk [tilespmem:v14+s4+$0x0], $0xffff  }
0xe4: {  	v15 =	vld.idx.msk [tilespmem:v15+s4+$0x0], $0xffff;
	v10 =	vshll.u32 v10, $0x1;
	v9 =	vadd.s32 v9, v39  }
0xe5: {  	v16 =	vld.idx.msk [tilespmem:v16+s4+$0x0], $0xffff;
	v13 =	vshll.u32 v13, $0x2;
	v9 =	vadd.s32 v10, v9  }
0xe6: {  	v10 =	vshll.u32 v12, $0x3;
	v9 =	vadd.s32 v13, v9  }
0xe7: {  	s28 =	sadd.s32 $0x80, s24;
	v11 =	vshll.u32 v11, $0x4;
	v9 =	vadd.s32 v10, v9  }
0xe8: {  	v10 =	vshll.u32 v14, $0x5;
	v9 =	vadd.s32 v11, v9;
	v11 =	vor.u32 s28, v0  }
0xe9: {  	v40 =	vshll.u32 v15, $0x6;
	v9 =	vadd.s32 v10, v9;
	v10 =	vor.u32 s28, v2  }
0xea: {  	v42 =	vor.u32 s28, v3;
	v41 =	vshll.u32 v16, $0x7;
	v9 =	vadd.s32 v40, v9  }
0xeb: {  	s23 =	sadd.s32 $0x40, s23;
	v43 =	vor.u32 s28, v4;
	v9 =	vadd.s32 v41, v9  }
0xec: {  	[tilespmem:s23+$0xFFFFFFE0] =	vst v9;
	v9 =	vor.u32 s28, v5  }
0xed: {  	v44 =	vor.u32 s28, v6;
	v11 =	vld.idx.msk [tilespmem:v11+s9+$0x0], $0xffff  }
0xee: {  	v45 =	vor.u32 s28, v7;
	v10 =	vld.idx.msk [tilespmem:v10+s9+$0x0], $0xffff  }
0xef: {  	v46 =	vor.u32 s28, v8;
	v12 =	vld.idx.msk [tilespmem:v42+s9+$0x0], $0xffff  }
0xf0: {  	v13 =	vld.idx.msk [tilespmem:v43+s9+$0x0], $0xffff  }
0xf1: {  	v9 =	vld.idx.msk [tilespmem:v9+s9+$0x0], $0xffff  }
0xf2: {  	v14 =	vld.idx.msk [tilespmem:v44+s9+$0x0], $0xffff  }
0xf3: {  	v15 =	vld.idx.msk [tilespmem:v45+s9+$0x0], $0xffff  }
0xf4: {  	v16 =	vld.idx.msk [tilespmem:v46+s9+$0x0], $0xffff  }
0xf5: {  	v11 =	vld.idx.msk [tilespmem:v11+s4+$0x0], $0xffff  }
0xf6: {  	v10 =	vld.idx.msk [tilespmem:v10+s4+$0x0], $0xffff  }
0xf7: {  	v12 =	vld.idx.msk [tilespmem:v12+s4+$0x0], $0xffff  }
0xf8: {  	v13 =	vld.idx.msk [tilespmem:v13+s4+$0x0], $0xffff  }
0xf9: {  	s29 =	sadd.s32 $0xFFFFE000, s25;
	v9 =	vld.idx.msk [tilespmem:v9+s4+$0x0], $0xffff  }
0xfa: {  	v47 =	vadd.s32 s29, v1;
	v14 =	vld.idx.msk [tilespmem:v14+s4+$0x0], $0xffff  }
0xfb: {  	v15 =	vld.idx.msk [tilespmem:v15+s4+$0x0], $0xffff;
	v11 =	vadd.s32 v11, v47;
	v10 =	vshll.u32 v10, $0x1  }
0xfc: {  	v16 =	vld.idx.msk [tilespmem:v16+s4+$0x0], $0xffff;
	v12 =	vshll.u32 v12, $0x2;
	v10 =	vadd.s32 v10, v11  }
0xfd: {  	v11 =	vshll.u32 v13, $0x3;
	v10 =	vadd.s32 v12, v10  }
0xfe: {  	s30 =	sadd.s32 $0x100, s24;
	v9 =	vshll.u32 v9, $0x4;
	v10 =	vadd.s32 v11, v10  }
0xff: {  	v11 =	vshll.u32 v14, $0x5;
	v9 =	vadd.s32 v9, v10;
	v10 =	vor.u32 s30, v0  }
0x100: {  	v48 =	vshll.u32 v15, $0x6;
	v9 =	vadd.s32 v11, v9;
	v11 =	vor.u32 s30, v2  }
0x101: {  	v50 =	vor.u32 s30, v3;
	v49 =	vshll.u32 v16, $0x7;
	v9 =	vadd.s32 v48, v9  }
0x102: {  	v51 =	vor.u32 s30, v4;
	v9 =	vadd.s32 v49, v9  }
0x103: {  	[tilespmem:s23+$0xFFFFFFF0] =	vst v9;
	v9 =	vor.u32 s30, v5  }
0x104: {  	v52 =	vor.u32 s30, v6;
	v10 =	vld.idx.msk [tilespmem:v10+s9+$0x0], $0xffff  }
0x105: {  	v53 =	vor.u32 s30, v7;
	v11 =	vld.idx.msk [tilespmem:v11+s9+$0x0], $0xffff  }
0x106: {  	v54 =	vor.u32 s30, v8;
	v12 =	vld.idx.msk [tilespmem:v50+s9+$0x0], $0xffff  }
0x107: {  	v13 =	vld.idx.msk [tilespmem:v51+s9+$0x0], $0xffff  }
0x108: {  	v9 =	vld.idx.msk [tilespmem:v9+s9+$0x0], $0xffff  }
0x109: {  	v14 =	vld.idx.msk [tilespmem:v52+s9+$0x0], $0xffff  }
0x10a: {  	v15 =	vld.idx.msk [tilespmem:v53+s9+$0x0], $0xffff  }
0x10b: {  	v16 =	vld.idx.msk [tilespmem:v54+s9+$0x0], $0xffff  }
0x10c: {  	v10 =	vld.idx.msk [tilespmem:v10+s4+$0x0], $0xffff  }
0x10d: {  	v11 =	vld.idx.msk [tilespmem:v11+s4+$0x0], $0xffff  }
0x10e: {  	v12 =	vld.idx.msk [tilespmem:v12+s4+$0x0], $0xffff  }
0x10f: {  	v13 =	vld.idx.msk [tilespmem:v13+s4+$0x0], $0xffff  }
0x110: {  	s28 =	sadd.s32 $0xFFFFF000, s25;
	v9 =	vld.idx.msk [tilespmem:v9+s4+$0x0], $0xffff  }
0x111: {  	v55 =	vadd.s32 s28, v1;
	v14 =	vld.idx.msk [tilespmem:v14+s4+$0x0], $0xffff  }
0x112: {  	v15 =	vld.idx.msk [tilespmem:v15+s4+$0x0], $0xffff;
	v10 =	vadd.s32 v10, v55;
	v11 =	vshll.u32 v11, $0x1  }
0x113: {  	v16 =	vld.idx.msk [tilespmem:v16+s4+$0x0], $0xffff;
	v12 =	vshll.u32 v12, $0x2;
	v10 =	vadd.s32 v11, v10  }
0x114: {  	v11 =	vshll.u32 v13, $0x3;
	v10 =	vadd.s32 v12, v10  }
0x115: {  	s29 =	sadd.s32 $0x180, s24;
	v9 =	vshll.u32 v9, $0x4;
	v10 =	vadd.s32 v11, v10  }
0x116: {  	v11 =	vshll.u32 v14, $0x5;
	v9 =	vadd.s32 v9, v10;
	v10 =	vor.u32 s29, v0  }
0x117: {  	v56 =	vshll.u32 v15, $0x6;
	v9 =	vadd.s32 v11, v9;
	v11 =	vor.u32 s29, v2  }
0x118: {  	v58 =	vor.u32 s29, v3;
	v57 =	vshll.u32 v16, $0x7;
	v9 =	vadd.s32 v56, v9  }
0x119: {  	v59 =	vor.u32 s29, v4;
	v9 =	vadd.s32 v57, v9  }
0x11a: {  	[tilespmem:s23+$0x0] =	vst v9;
	v9 =	vor.u32 s29, v5  }
0x11b: {  	v60 =	vor.u32 s29, v6;
	v10 =	vld.idx.msk [tilespmem:v10+s9+$0x0], $0xffff  }
0x11c: {  	v61 =	vor.u32 s29, v7;
	v11 =	vld.idx.msk [tilespmem:v11+s9+$0x0], $0xffff  }
0x11d: {  	v62 =	vor.u32 s29, v8;
	v12 =	vld.idx.msk [tilespmem:v58+s9+$0x0], $0xffff  }
0x11e: {  	v13 =	vld.idx.msk [tilespmem:v59+s9+$0x0], $0xffff  }
0x11f: {  	v9 =	vld.idx.msk [tilespmem:v9+s9+$0x0], $0xffff  }
0x120: {  	v14 =	vld.idx.msk [tilespmem:v60+s9+$0x0], $0xffff  }
0x121: {  	v15 =	vld.idx.msk [tilespmem:v61+s9+$0x0], $0xffff  }
0x122: {  	v16 =	vld.idx.msk [tilespmem:v62+s9+$0x0], $0xffff  }
0x123: {  	v10 =	vld.idx.msk [tilespmem:v10+s4+$0x0], $0xffff  }
0x124: {  	v11 =	vld.idx.msk [tilespmem:v11+s4+$0x0], $0xffff  }
0x125: {  	v12 =	vld.idx.msk [tilespmem:v12+s4+$0x0], $0xffff  }
0x126: {  	v13 =	vld.idx.msk [tilespmem:v13+s4+$0x0], $0xffff  }
0x127: {  	v9 =	vld.idx.msk [tilespmem:v9+s4+$0x0], $0xffff  }
0x128: {  	v63 =	vadd.s32 s25, v1;
	v14 =	vld.idx.msk [tilespmem:v14+s4+$0x0], $0xffff  }
0x129: {  	v15 =	vld.idx.msk [tilespmem:v15+s4+$0x0], $0xffff;
	v10 =	vadd.s32 v10, v63;
	v11 =	vshll.u32 v11, $0x1  }
0x12a: {  	v16 =	vld.idx.msk [tilespmem:v16+s4+$0x0], $0xffff;
	v12 =	vshll.u32 v12, $0x2;
	v10 =	vadd.s32 v11, v10  }
0x12b: {  	v11 =	vshll.u32 v13, $0x3;
	v10 =	vadd.s32 v12, v10  }
0x12c: {  	v9 =	vshll.u32 v9, $0x4;
	v10 =	vadd.s32 v11, v10  }
0x12d: {  	v11 =	vshll.u32 v14, $0x5;
	v9 =	vadd.s32 v9, v10  }
0x12e: {  	v10 =	vshll.u32 v15, $0x6;
	v9 =	vadd.s32 v11, v9  }
0x12f: {  	v11 =	vshll.u32 v16, $0x7;
	v9 =	vadd.s32 v10, v9  }
0x130: {  	v9 =	vadd.s32 v11, v9  }
0x131: {  	s30 =	simm.s32 $0x8000;
	[tilespmem:s23+$0x10] =	vst v9  }
0x132: {  	[tilespmem:s12], [sflag:$0x1] =	stream.indirect.gather [hbm4b:s3+s10], $0x1, s30, s10, $0xb8;
	[tilespmem:$0x9000] =	vst v63  }
0x133: {  	s24 =	simm.s32 $0x8080;
	s25 =	simm.s32 $0x8880  }
0x134: {  	[tilespmem:s25], [sflag:$0x1] =	stream.indirect.gather [hbm4b:s3+s10], $0x1, s24, s10, $0xb8;
	[tilespmem:$0x9000] =	vst v63  }
0x135: {  	s26 =	simm.s32 $0x8100;
	s28 =	simm.s32 $0x8900  }
0x136: {  	[tilespmem:s28], [sflag:$0x1] =	stream.indirect.gather [hbm4b:s3+s10], $0x1, s26, s10, $0xb8;
	[tilespmem:$0x9000] =	vst v63  }
0x137: {  	s29 =	simm.s32 $0x8180;
	s30 =	simm.s32 $0x8980  }
0x138: {  	[tilespmem:s30], [sflag:$0x1] =	stream.indirect.gather [hbm4b:s3+s10], $0x1, s29, s10, $0xb8;
	[tilespmem:$0x9000] =	vst v63  }
0x139: {  	s24 =	simm.s32 $0x8200;
	s25 =	simm.s32 $0x8A00  }
0x13a: {  	[tilespmem:s25], [sflag:$0x1] =	stream.indirect.gather [hbm4b:s3+s10], $0x1, s24, s10, $0xb8;
	[tilespmem:$0x9000] =	vst v63  }
0x13b: {  	s26 =	simm.s32 $0x8280;
	s28 =	simm.s32 $0x8A80  }
0x13c: {  	[tilespmem:s28], [sflag:$0x1] =	stream.indirect.gather [hbm4b:s3+s10], $0x1, s26, s10, $0xb8;
	[tilespmem:$0x9000] =	vst v63  }
0x13d: {  	s29 =	simm.s32 $0x8300;
	s30 =	simm.s32 $0x8B00  }
0x13e: {  	[tilespmem:s30], [sflag:$0x1] =	stream.indirect.gather [hbm4b:s3+s10], $0x1, s29, s10, $0xb8;
	[tilespmem:$0x9000] =	vst v63  }
0x13f: {  	s25 =	simm.s32 $0x8380;
	s26 =	simm.s32 $0x8B80  }
0x140: {  	[tilespmem:s26], [sflag:$0x1] =	stream.indirect.gather [hbm4b:s3+s10], $0x1, s25, s10, $0xb8;
	[tilespmem:$0x9000] =	vst v63  }
0x141: {  	s28 =	simm.s32 $0x8400;
	s29 =	simm.s32 $0x8C00  }
0x142: {  	[tilespmem:s29], [sflag:$0x1] =	stream.indirect.gather [hbm4b:s3+s10], $0x1, s28, s10, $0xb8;
	[tilespmem:$0x9000] =	vst v63  }
0x143: {  	s30 =	simm.s32 $0x8480  }
0x144: {  	[tilespmem:s31], [sflag:$0x1] =	stream.indirect.gather [hbm4b:s3+s10], $0x1, s30, s10, $0xb8;
	[tilespmem:$0x9000] =	vst v63  }
0x145: {  	_ = 	snop  }
0x146: {  	[tilespmem:s2], [sflag:$0x1] =	stream.indirect.gather [hbm4b:s3+s10], $0x1, s0, s10, $0xb8;
	[tilespmem:$0x9000] =	vst v63  }
0x147: {  	_ = 	snop  }
0x148: {  	[tilespmem:s11], [sflag:$0x1] =	stream.indirect.gather [hbm4b:s3+s10], $0x1, s1, s10, $0xb8;
	[tilespmem:$0x9000] =	vst v63  }
0x149: {  	_ = 	snop  }
0x14a: {  	[tilespmem:s14], [sflag:$0x1] =	stream.indirect.gather [hbm4b:s3+s10], $0x1, s13, s10, $0xb8;
	[tilespmem:$0x9000] =	vst v63  }
0x14b: {  	_ = 	snop  }
0x14c: {  	[tilespmem:s16], [sflag:$0x1] =	stream.indirect.gather [hbm4b:s3+s10], $0x1, s15, s10, $0xb8;
	[tilespmem:$0x9000] =	vst v63  }
0x14d: {  	_ = 	snop  }
0x14e: {  	[tilespmem:s18], [sflag:$0x1] =	stream.indirect.gather [hbm4b:s3+s10], $0x1, s17, s10, $0xb8;
	[tilespmem:$0x9000] =	vst v63  }
0x14f: {  	_ = 	snop  }
0x150: {  	[tilespmem:s20], [sflag:$0x1] =	stream.indirect.gather [hbm4b:s3+s10], $0x1, s19, s10, $0xb8;
	[tilespmem:$0x9000] =	vst v63  }
0x151: {  	_ =	swait.ge [sflag:s21], $0x80  }
0x152: {  	[sflag:s21] =	ssyncset.done $0x0  }
0x153: {  	[sflag:s21] =	ssyncadd.s32 $0xFFFFFF80  }
0x154: {  	_ =	swait.ge [sflag:s21], $0x80  }
0x155: {  	[sflag:s21] =	ssyncset.done $0x0  }
0x156: {  	[sflag:s21] =	ssyncadd.s32 $0xFFFFFF80  }
0x157: {  	_ =	swait.ge [sflag:s21], $0x80  }
0x158: {  	[sflag:s21] =	ssyncset.done $0x0  }
0x159: {  	[sflag:s21] =	ssyncadd.s32 $0xFFFFFF80  }
0x15a: {  	_ =	swait.ge [sflag:s21], $0x80  }
0x15b: {  	[sflag:s21] =	ssyncset.done $0x0  }
0x15c: {  	[sflag:s21] =	ssyncadd.s32 $0xFFFFFF80  }
0x15d: {  	_ =	swait.ge [sflag:s21], $0x80  }
0x15e: {  	[sflag:s21] =	ssyncset.done $0x0  }
0x15f: {  	[sflag:s21] =	ssyncadd.s32 $0xFFFFFF80  }
0x160: {  	_ =	swait.ge [sflag:s21], $0x80  }
0x161: {  	[sflag:s21] =	ssyncset.done $0x0  }
0x162: {  	[sflag:s21] =	ssyncadd.s32 $0xFFFFFF80  }
0x163: {  	_ =	swait.ge [sflag:s21], $0x80  }
0x164: {  	[sflag:s21] =	ssyncset.done $0x0  }
0x165: {  	[sflag:s21] =	ssyncadd.s32 $0xFFFFFF80  }
0x166: {  	_ =	swait.ge [sflag:s21], $0x80  }
0x167: {  	[sflag:s21] =	ssyncset.done $0x0  }
0x168: {  	[sflag:s21] =	ssyncadd.s32 $0xFFFFFF80  }
0x169: {  	_ =	swait.ge [sflag:s21], $0x80  }
0x16a: {  	[sflag:s21] =	ssyncset.done $0x0  }
0x16b: {  	[sflag:s21] =	ssyncadd.s32 $0xFFFFFF80  }
0x16c: {  	_ =	swait.ge [sflag:s21], $0x80  }
0x16d: {  	[sflag:s21] =	ssyncset.done $0x0  }
0x16e: {  	[sflag:s21] =	ssyncadd.s32 $0xFFFFFF80  }
0x16f: {  	_ =	swait.ge [sflag:s21], $0x80  }
0x170: {  	[sflag:s21] =	ssyncset.done $0x0  }
0x171: {  	[sflag:s21] =	ssyncadd.s32 $0xFFFFFF80  }
0x172: {  	_ =	swait.ge [sflag:s21], $0x80  }
0x173: {  	[sflag:s21] =	ssyncset.done $0x0  }
0x174: {  	[sflag:s21] =	ssyncadd.s32 $0xFFFFFF80  }
0x175: {  	_ =	swait.ge [sflag:s21], $0x80  }
0x176: {  	[sflag:s21] =	ssyncset.done $0x0  }
0x177: {  	[sflag:s21] =	ssyncadd.s32 $0xFFFFFF80  }
0x178: {  	_ =	swait.ge [sflag:s21], $0x80  }
0x179: {  	[sflag:s21] =	ssyncset.done $0x0  }
0x17a: {  	[sflag:s21] =	ssyncadd.s32 $0xFFFFFF80  }
0x17b: {  	_ =	swait.ge [sflag:s21], $0x80  }
0x17c: {  	[sflag:s21] =	ssyncset.done $0x0  }
0x17d: {  	[sflag:s21] =	ssyncadd.s32 $0xFFFFFF80  }
0x17e: {  	s22 =	sadd.s32 $0x1, s22;
	_ =	swait.ge [sflag:s21], $0x80  }
0x17f: {  	p0 =	sne.s32 s22, s7;
	[sflag:s21] =	ssyncset.done $0x0  }
.Ltmp1:
0x180: {  	[sflag:s21] =	ssyncadd.s32 $0xFFFFFF80;
	(pc) =	sbr.rel @p0 .LBB2_1-.Ltmp1, $4  }
0x181: {  	[hbm4b:s6+s4] =	stream.linear.scatter [tilespmem:s12], [sflag:$0x2], $0x800, $0x38;
	[tilespmem:$0x9000] =	vst v63  }
0x182: {  	_ =	swait.ge [sflag:s8], $0x800  }
0x183: {  	[sflag:s8] =	ssyncset.done $0x0  }
0x184: {  	[sflag:s8] =	ssyncadd.s32 $0xFFFFF800  }
0x185: {  	_ =	sfence.sel $0x180000  }
0x186: {  	[bflag:$0x0] =	sbarrier.arrive $0xFFFF  }
0x187: {  	_ =	strace $0x90000047  }
0x188: {  	s0 =	stileid.u32;
	[bflag:$0x2] =	sbarrier.arrive $0xFFFF  }
0x189: {  	p0 =	sne.s32 s0, $0x0;
	s0 =	rddreg [dreg:$0x4]  }
0x18a: {  	s0 =	sadd.s32 @!p0 $0x100000, s0  }
0x18b: {  	[sflag:s0] =	ssyncadd.tile.s32 @!p0 $0x1;
	_ =	shalt  }
.Lfunc_end2:
_tile_overlayer_lowered:
.L_overlay_start_2:
0x18c: {  	(tag) =	ssettag $0x2  }
0x18d: {  	s0 =	rddreg [dreg:$0x0];
	s2 =	stileid.u32  }
0x18e: {  	s1 =	rddreg [dreg:$0x1];
	p0 =	sne.s32 s2, $0x0  }
0x18f: {  	s3 =	rddreg [dreg:$0x2];
	[bflag:$0x3] =	sbarrier.arrive $0xFFFF;
	s2 =	simm.s32 @!p0 $0x1C02  }
0x190: {  	[timem:s3], [sflag:s2] =	dma.local @!p0 [hbm:s0], s1  }
0x191: {  	s0 =	simm.s32 @!p0 $0x2  }
0x192: {  	_ =	swait.ge @!p0 [sflag:s0], s1  }
0x193: {  	s1 =	ssub.s32 @!p0 $0x0, s1;
	[sflag:s0] =	ssyncset.done @!p0 $0x0  }
0x194: {  	[sflag:s0] =	ssyncadd.s32 @!p0 s1  }
0x195: {  	[bflag:$0x3] =	sbarrier.arrive $0xFFFF  }
0x196: {  	_ =	shalt  }

</sc_bundles>
